<compile_context>
chip_gen: v7x
topology: tpu7x:2x2x1
jax: 0.10.2.dev20260603
libtpu: 0.0.44.dev20260713+nightly
codegen_flags: <defaults>
</compile_context>

<pallas_src>
import functools

import jax
import jax.numpy as jnp
from jax import lax
from jax.experimental import pallas as pl
from jax.experimental.pallas import tpu as pltpu, tpu_sc as plsc

_N = 100000
_D = 512
_C = 80
_PER_W = 3120
_KCH = _PER_W // _C
_TAIL = _N - 32 * _PER_W

_info = plsc.get_sparse_core_info()
_NC, _NS = _info.num_cores, _info.num_subcores


def _perm_indices():
    return jax.random.permutation(jax.random.key(42), _N).astype(jnp.int32)


def _shuffle_body(x_hbm, idx_hbm, out_hbm,
                  idx_all, idx_t, buf_a, buf_b, buf_c,
                  gsem_a, gsem_b, gsem_c, wsem_a, wsem_b, wsem_c):
    wid = lax.axis_index("s") * _NC + lax.axis_index("c")
    base = wid * _PER_W

    def start_g(k, buf, sem):
        pltpu.make_async_copy(
            x_hbm.at[idx_all.at[pl.ds(k * _C, _C)]], buf, sem).start()

    def wait_g(buf, sem):
        pltpu.make_async_copy(x_hbm.at[idx_t], buf, sem).wait()

    def start_w(k, buf, sem):
        pltpu.make_async_copy(
            buf, out_hbm.at[pl.ds(base + k * _C, _C)], sem).start()

    def wait_w(buf, sem):
        pltpu.make_async_copy(
            buf, out_hbm.at[pl.ds(base, _C)], sem).wait()

    pltpu.sync_copy(idx_hbm.at[pl.ds(base, _PER_W)], idx_all)
    start_g(0, buf_a, gsem_a)
    start_g(1, buf_b, gsem_b)

    def body(t, carry):
        k0 = 3 * t
        wait_g(buf_a, gsem_a)
        start_w(k0, buf_a, wsem_a)

        @pl.when(t > 0)
        def _():
            wait_w(buf_c, wsem_c)

        start_g(k0 + 2, buf_c, gsem_c)
        wait_g(buf_b, gsem_b)
        start_w(k0 + 1, buf_b, wsem_b)
        wait_w(buf_a, wsem_a)
        start_g(k0 + 3, buf_a, gsem_a)
        wait_g(buf_c, gsem_c)
        start_w(k0 + 2, buf_c, wsem_c)
        wait_w(buf_b, wsem_b)
        start_g(k0 + 4, buf_b, gsem_b)
        return carry

    lax.fori_loop(0, 12, body, 0)

    wait_g(buf_a, gsem_a)
    start_w(36, buf_a, wsem_a)
    wait_w(buf_c, wsem_c)
    start_g(38, buf_c, gsem_c)
    wait_g(buf_b, gsem_b)
    start_w(37, buf_b, wsem_b)
    wait_g(buf_c, gsem_c)
    start_w(38, buf_c, wsem_c)
    wait_w(buf_b, wsem_b)

    @pl.when(wid < 2)
    def _():
        tbase = 32 * _PER_W + wid * _C
        pltpu.sync_copy(idx_hbm.at[pl.ds(tbase, _C)], idx_t)
        pltpu.async_copy(x_hbm.at[idx_t], buf_b, gsem_b).wait()
        pltpu.sync_copy(buf_b, out_hbm.at[pl.ds(tbase, _C)])

    wait_w(buf_a, wsem_a)
    wait_w(buf_c, wsem_c)


_shuffle = functools.partial(
    pl.kernel,
    mesh=plsc.VectorSubcoreMesh(core_axis_name="c", subcore_axis_name="s"),
    out_type=jax.ShapeDtypeStruct((_N, _D), jnp.float32),
    scratch_types=[
        pltpu.VMEM((_PER_W,), jnp.int32),
        pltpu.VMEM((_C,), jnp.int32),
        pltpu.VMEM((_C, _D), jnp.float32),
        pltpu.VMEM((_C, _D), jnp.float32),
        pltpu.VMEM((_C, _D), jnp.float32),
        pltpu.SemaphoreType.DMA,
        pltpu.SemaphoreType.DMA,
        pltpu.SemaphoreType.DMA,
        pltpu.SemaphoreType.DMA,
        pltpu.SemaphoreType.DMA,
        pltpu.SemaphoreType.DMA,
    ],
)(_shuffle_body)


def kernel(X):
    return _shuffle(X, _perm_indices())

# --- scband reference (transcript-rebuilt; emitter-appended) ---
"""Pipeline reference for scband-shuffle-13262859010410 (READ-ONLY COPY).

The authoritative reference and input builder live on the scoring server;
editing this copy changes nothing except your own understanding.
"""

import jax, jax.numpy as jnp
import numpy as np

N = 100000
D = 512

def setup_inputs(seed: int = 0) -> dict:
    key = jax.random.key(seed)
    X = jax.random.normal(jax.random.fold_in(key, 0), (N, D), dtype=jnp.float32)
    return {"X": X}

def reference(X):
    # torch.randperm(N) analogue with a fixed seed for determinism;
    # forward is a pure row gather: X[rand_idx]
    perm = jax.random.permutation(jax.random.key(42), X.shape[0])
    return jnp.take(X, perm, axis=0)

if __name__ == "__main__":
    import jax
    _d = setup_inputs()
    print(jax.jit(kernel)(*tuple(_d.values())))

</pallas_src>

<mosaic_0001>
#map = affine_map<(d0, d1) -> (0, 0)>
#map1 = affine_map<(d0, d1) -> (0)>
module attributes {stable_mosaic.version = 14 : i64} {
  func.func @_shuffle_body(%arg0: i32, %arg1: i32, %arg2: memref<100000x512xf32, #tpu.memory_space<hbm>>, %arg3: memref<100000xi32, #tpu.memory_space<hbm>>, %arg4: memref<100000x512xf32, #tpu.memory_space<hbm>>, %arg5: memref<3120xi32, #tpu.memory_space<vmem>>, %arg6: memref<80xi32, #tpu.memory_space<vmem>>, %arg7: memref<80x512xf32, #tpu.memory_space<vmem>>, %arg8: memref<80x512xf32, #tpu.memory_space<vmem>>, %arg9: memref<80x512xf32, #tpu.memory_space<vmem>>, %arg10: memref<!tpu.dma_semaphore, #tpu.memory_space<semaphore_mem>>, %arg11: memref<!tpu.dma_semaphore, #tpu.memory_space<semaphore_mem>>, %arg12: memref<!tpu.dma_semaphore, #tpu.memory_space<semaphore_mem>>, %arg13: memref<!tpu.dma_semaphore, #tpu.memory_space<semaphore_mem>>, %arg14: memref<!tpu.dma_semaphore, #tpu.memory_space<semaphore_mem>>, %arg15: memref<!tpu.dma_semaphore, #tpu.memory_space<semaphore_mem>>) attributes {dimension_semantics = [#tpu.dimension_semantics<core_parallel>, #tpu.dimension_semantics<subcore_parallel>], iteration_bounds = array<i64: 2, 16>, scalar_prefetch = 0 : i64, scratch_operands = 11 : i64, tpu.core_type = #tpu.core_type<sc_vector_subcore>, window_params = [{transform_indices = #map}, {transform_indices = #map1}, {transform_indices = #map}]} {
    %mul3A = arith.constant 2 : i32
    %mul3A_0 = arith.muli %arg1, %mul3A : i32
    %add3A = arith.addi %mul3A_0, %arg0 : i32
    %mul3A_1 = arith.constant 3120 : i32
    %mul3A_2 = arith.muli %add3A, %mul3A_1 : i32
    "tpu.region"() ({
      %run_scoped3A = tpu.sem_alloc : memref<!tpu.dma_semaphore, #tpu.memory_space<semaphore_mem>>
      %dma_start3A_66 = tpu.memref_slice %arg3[%mul3A_2] : memref<100000xi32, #tpu.memory_space<hbm>> -> memref<3120xi32, #tpu.memory_space<hbm>>
      %dma_start3A_67 = tpu.memref_slice %arg3[%mul3A_2] : memref<100000xi32, #tpu.memory_space<hbm>> -> memref<3120xi32, #tpu.memory_space<hbm>>
      tpu.enqueue_dma source(%dma_start3A_67 : memref<3120xi32, #tpu.memory_space<hbm>>) target(%arg5 : memref<3120xi32, #tpu.memory_space<vmem>>) target_semaphore(%run_scoped3A : memref<!tpu.dma_semaphore, #tpu.memory_space<semaphore_mem>>)
      %dma_wait3A_68 = tpu.memref_slice %arg3[%mul3A_2] : memref<100000xi32, #tpu.memory_space<hbm>> -> memref<3120xi32, #tpu.memory_space<hbm>>
      %dma_wait3A_69 = tpu.memref_slice %arg3[%mul3A_2] : memref<100000xi32, #tpu.memory_space<hbm>> -> memref<3120xi32, #tpu.memory_space<hbm>>
      tpu.wait_dma2 semaphore(%run_scoped3A : memref<!tpu.dma_semaphore, #tpu.memory_space<semaphore_mem>>) src(%dma_wait3A_69 : memref<3120xi32, #tpu.memory_space<hbm>>) dst(%arg5 : memref<3120xi32, #tpu.memory_space<vmem>>)
      tpu.yield
    }) : () -> ()
    %dma_start3A = arith.constant 0 : i32
    %dma_start3A_3 = tpu.memref_slice %arg5[%dma_start3A] : memref<3120xi32, #tpu.memory_space<vmem>> -> memref<80xi32, #tpu.memory_space<vmem>>
    %dma_start3A_4 = arith.constant 0 : i32
    %dma_start3A_5 = arith.constant 0 : i32
    %dma_start3A_6 = tpu.memref_slice %arg2[%dma_start3A_4, %dma_start3A_5] : memref<100000x512xf32, #tpu.memory_space<hbm>> -> memref<100000x512xf32, #tpu.memory_space<hbm>>
    tpu.enqueue_indirect_dma source(%dma_start3A_6 : memref<100000x512xf32, #tpu.memory_space<hbm>>) target(%arg7 : memref<80x512xf32, #tpu.memory_space<vmem>>) offsets(%dma_start3A_3 : memref<80xi32, #tpu.memory_space<vmem>>) semaphore(%arg10 : memref<!tpu.dma_semaphore, #tpu.memory_space<semaphore_mem>>)
    %dma_start3A_7 = arith.constant 80 : i32
    %dma_start3A_8 = tpu.memref_slice %arg5[%dma_start3A_7] : memref<3120xi32, #tpu.memory_space<vmem>> -> memref<80xi32, #tpu.memory_space<vmem>>
    %dma_start3A_9 = arith.constant 0 : i32
    %dma_start3A_10 = arith.constant 0 : i32
    %dma_start3A_11 = tpu.memref_slice %arg2[%dma_start3A_9, %dma_start3A_10] : memref<100000x512xf32, #tpu.memory_space<hbm>> -> memref<100000x512xf32, #tpu.memory_space<hbm>>
    tpu.enqueue_indirect_dma source(%dma_start3A_11 : memref<100000x512xf32, #tpu.memory_space<hbm>>) target(%arg8 : memref<80x512xf32, #tpu.memory_space<vmem>>) offsets(%dma_start3A_8 : memref<80xi32, #tpu.memory_space<vmem>>) semaphore(%arg11 : memref<!tpu.dma_semaphore, #tpu.memory_space<semaphore_mem>>)
    %scan3A = arith.constant 0 : i32
    %scan3A_12 = arith.constant 0 : i32
    %scan3A_13 = arith.constant 12 : i32
    %scan3A_14 = arith.addi %scan3A_12, %scan3A_13 : i32
    %scan3A_15 = arith.constant 1 : i32
    scf.for %scan3A_66 = %scan3A_12 to %scan3A_14 step %scan3A_15  : i32 {
      %mul3A_67 = arith.constant 3 : i32
      %mul3A_68 = arith.muli %mul3A_67, %scan3A_66 : i32
      %dma_wait3A_69 = arith.constant 0 : i32
      %dma_wait3A_70 = arith.constant 0 : i32
      %dma_wait3A_71 = tpu.memref_slice %arg2[%dma_wait3A_69, %dma_wait3A_70] : memref<100000x512xf32, #tpu.memory_space<hbm>> -> memref<100000x512xf32, #tpu.memory_space<hbm>>
      tpu.wait_indirect_dma semaphore(%arg10 : memref<!tpu.dma_semaphore, #tpu.memory_space<semaphore_mem>>) src(%dma_wait3A_71 : memref<100000x512xf32, #tpu.memory_space<hbm>>) dst(%arg7 : memref<80x512xf32, #tpu.memory_space<vmem>>)
      %mul3A_72 = arith.constant 80 : i32
      %mul3A_73 = arith.muli %mul3A_68, %mul3A_72 : i32
      %add3A_74 = arith.addi %mul3A_2, %mul3A_73 : i32
      %dma_start3A_75 = arith.constant 0 : i32
      %dma_start3A_76 = tpu.memref_slice %arg4[%add3A_74, %dma_start3A_75] : memref<100000x512xf32, #tpu.memory_space<hbm>> -> memref<80x512xf32, #tpu.memory_space<hbm>>
      %dma_start3A_77 = arith.constant 0 : i32
      %dma_start3A_78 = tpu.memref_slice %arg4[%add3A_74, %dma_start3A_77] : memref<100000x512xf32, #tpu.memory_space<hbm>> -> memref<80x512xf32, #tpu.memory_space<hbm>>
      tpu.enqueue_dma source(%arg7 : memref<80x512xf32, #tpu.memory_space<vmem>>) target(%dma_start3A_78 : memref<80x512xf32, #tpu.memory_space<hbm>>) target_semaphore(%arg13 : memref<!tpu.dma_semaphore, #tpu.memory_space<semaphore_mem>>)
      %gt3A = arith.constant 0 : i32
      %gt3A_79 = arith.cmpi sgt, %scan3A_66, %gt3A : i32
      %convert_element_type3A_80 = arith.extui %gt3A_79 : i1 to i32
      %cond3A_81 = arith.constant 0 : i32
      %cond3A_82 = arith.cmpi ne, %convert_element_type3A_80, %cond3A_81 : i32
      scf.if %cond3A_82 {
        %dma_wait3A_139 = arith.constant 0 : i32
        %dma_wait3A_140 = tpu.memref_slice %arg4[%mul3A_2, %dma_wait3A_139] : memref<100000x512xf32, #tpu.memory_space<hbm>> -> memref<80x512xf32, #tpu.memory_space<hbm>>
        %dma_wait3A_141 = arith.constant 0 : i32
        %dma_wait3A_142 = tpu.memref_slice %arg4[%mul3A_2, %dma_wait3A_141] : memref<100000x512xf32, #tpu.memory_space<hbm>> -> memref<80x512xf32, #tpu.memory_space<hbm>>
        tpu.wait_dma2 semaphore(%arg15 : memref<!tpu.dma_semaphore, #tpu.memory_space<semaphore_mem>>) src(%arg9 : memref<80x512xf32, #tpu.memory_space<vmem>>) dst(%dma_wait3A_142 : memref<80x512xf32, #tpu.memory_space<hbm>>)
      } else {
      }
      %add3A_83 = arith.constant 2 : i32
      %add3A_84 = arith.addi %mul3A_68, %add3A_83 : i32
      %mul3A_85 = arith.constant 80 : i32
      %mul3A_86 = arith.muli %add3A_84, %mul3A_85 : i32
      %dma_start3A_87 = tpu.memref_slice %arg5[%mul3A_86] : memref<3120xi32, #tpu.memory_space<vmem>> -> memref<80xi32, #tpu.memory_space<vmem>>
      %dma_start3A_88 = arith.constant 0 : i32
      %dma_start3A_89 = arith.constant 0 : i32
      %dma_start3A_90 = tpu.memref_slice %arg2[%dma_start3A_88, %dma_start3A_89] : memref<100000x512xf32, #tpu.memory_space<hbm>> -> memref<100000x512xf32, #tpu.memory_space<hbm>>
      tpu.enqueue_indirect_dma source(%dma_start3A_90 : memref<100000x512xf32, #tpu.memory_space<hbm>>) target(%arg9 : memref<80x512xf32, #tpu.memory_space<vmem>>) offsets(%dma_start3A_87 : memref<80xi32, #tpu.memory_space<vmem>>) semaphore(%arg12 : memref<!tpu.dma_semaphore, #tpu.memory_space<semaphore_mem>>)
      %dma_wait3A_91 = arith.constant 0 : i32
      %dma_wait3A_92 = arith.constant 0 : i32
      %dma_wait3A_93 = tpu.memref_slice %arg2[%dma_wait3A_91, %dma_wait3A_92] : memref<100000x512xf32, #tpu.memory_space<hbm>> -> memref<100000x512xf32, #tpu.memory_space<hbm>>
      tpu.wait_indirect_dma semaphore(%arg11 : memref<!tpu.dma_semaphore, #tpu.memory_space<semaphore_mem>>) src(%dma_wait3A_93 : memref<100000x512xf32, #tpu.memory_space<hbm>>) dst(%arg8 : memref<80x512xf32, #tpu.memory_space<vmem>>)
      %add3A_94 = arith.constant 1 : i32
      %add3A_95 = arith.addi %mul3A_68, %add3A_94 : i32
      %mul3A_96 = arith.constant 80 : i32
      %mul3A_97 = arith.muli %add3A_95, %mul3A_96 : i32
      %add3A_98 = arith.addi %mul3A_2, %mul3A_97 : i32
      %dma_start3A_99 = arith.constant 0 : i32
      %dma_start3A_100 = tpu.memref_slice %arg4[%add3A_98, %dma_start3A_99] : memref<100000x512xf32, #tpu.memory_space<hbm>> -> memref<80x512xf32, #tpu.memory_space<hbm>>
      %dma_start3A_101 = arith.constant 0 : i32
      %dma_start3A_102 = tpu.memref_slice %arg4[%add3A_98, %dma_start3A_101] : memref<100000x512xf32, #tpu.memory_space<hbm>> -> memref<80x512xf32, #tpu.memory_space<hbm>>
      tpu.enqueue_dma source(%arg8 : memref<80x512xf32, #tpu.memory_space<vmem>>) target(%dma_start3A_102 : memref<80x512xf32, #tpu.memory_space<hbm>>) target_semaphore(%arg14 : memref<!tpu.dma_semaphore, #tpu.memory_space<semaphore_mem>>)
      %dma_wait3A_103 = arith.constant 0 : i32
      %dma_wait3A_104 = tpu.memref_slice %arg4[%mul3A_2, %dma_wait3A_103] : memref<100000x512xf32, #tpu.memory_space<hbm>> -> memref<80x512xf32, #tpu.memory_space<hbm>>
      %dma_wait3A_105 = arith.constant 0 : i32
      %dma_wait3A_106 = tpu.memref_slice %arg4[%mul3A_2, %dma_wait3A_105] : memref<100000x512xf32, #tpu.memory_space<hbm>> -> memref<80x512xf32, #tpu.memory_space<hbm>>
      tpu.wait_dma2 semaphore(%arg13 : memref<!tpu.dma_semaphore, #tpu.memory_space<semaphore_mem>>) src(%arg7 : memref<80x512xf32, #tpu.memory_space<vmem>>) dst(%dma_wait3A_106 : memref<80x512xf32, #tpu.memory_space<hbm>>)
      %add3A_107 = arith.constant 3 : i32
      %add3A_108 = arith.addi %mul3A_68, %add3A_107 : i32
      %mul3A_109 = arith.constant 80 : i32
      %mul3A_110 = arith.muli %add3A_108, %mul3A_109 : i32
      %dma_start3A_111 = tpu.memref_slice %arg5[%mul3A_110] : memref<3120xi32, #tpu.memory_space<vmem>> -> memref<80xi32, #tpu.memory_space<vmem>>
      %dma_start3A_112 = arith.constant 0 : i32
      %dma_start3A_113 = arith.constant 0 : i32
      %dma_start3A_114 = tpu.memref_slice %arg2[%dma_start3A_112, %dma_start3A_113] : memref<100000x512xf32, #tpu.memory_space<hbm>> -> memref<100000x512xf32, #tpu.memory_space<hbm>>
      tpu.enqueue_indirect_dma source(%dma_start3A_114 : memref<100000x512xf32, #tpu.memory_space<hbm>>) target(%arg7 : memref<80x512xf32, #tpu.memory_space<vmem>>) offsets(%dma_start3A_111 : memref<80xi32, #tpu.memory_space<vmem>>) semaphore(%arg10 : memref<!tpu.dma_semaphore, #tpu.memory_space<semaphore_mem>>)
      %dma_wait3A_115 = arith.constant 0 : i32
      %dma_wait3A_116 = arith.constant 0 : i32
      %dma_wait3A_117 = tpu.memref_slice %arg2[%dma_wait3A_115, %dma_wait3A_116] : memref<100000x512xf32, #tpu.memory_space<hbm>> -> memref<100000x512xf32, #tpu.memory_space<hbm>>
      tpu.wait_indirect_dma semaphore(%arg12 : memref<!tpu.dma_semaphore, #tpu.memory_space<semaphore_mem>>) src(%dma_wait3A_117 : memref<100000x512xf32, #tpu.memory_space<hbm>>) dst(%arg9 : memref<80x512xf32, #tpu.memory_space<vmem>>)
      %add3A_118 = arith.constant 2 : i32
      %add3A_119 = arith.addi %mul3A_68, %add3A_118 : i32
      %mul3A_120 = arith.constant 80 : i32
      %mul3A_121 = arith.muli %add3A_119, %mul3A_120 : i32
      %add3A_122 = arith.addi %mul3A_2, %mul3A_121 : i32
      %dma_start3A_123 = arith.constant 0 : i32
      %dma_start3A_124 = tpu.memref_slice %arg4[%add3A_122, %dma_start3A_123] : memref<100000x512xf32, #tpu.memory_space<hbm>> -> memref<80x512xf32, #tpu.memory_space<hbm>>
      %dma_start3A_125 = arith.constant 0 : i32
      %dma_start3A_126 = tpu.memref_slice %arg4[%add3A_122, %dma_start3A_125] : memref<100000x512xf32, #tpu.memory_space<hbm>> -> memref<80x512xf32, #tpu.memory_space<hbm>>
      tpu.enqueue_dma source(%arg9 : memref<80x512xf32, #tpu.memory_space<vmem>>) target(%dma_start3A_126 : memref<80x512xf32, #tpu.memory_space<hbm>>) target_semaphore(%arg15 : memref<!tpu.dma_semaphore, #tpu.memory_space<semaphore_mem>>)
      %dma_wait3A_127 = arith.constant 0 : i32
      %dma_wait3A_128 = tpu.memref_slice %arg4[%mul3A_2, %dma_wait3A_127] : memref<100000x512xf32, #tpu.memory_space<hbm>> -> memref<80x512xf32, #tpu.memory_space<hbm>>
      %dma_wait3A_129 = arith.constant 0 : i32
      %dma_wait3A_130 = tpu.memref_slice %arg4[%mul3A_2, %dma_wait3A_129] : memref<100000x512xf32, #tpu.memory_space<hbm>> -> memref<80x512xf32, #tpu.memory_space<hbm>>
      tpu.wait_dma2 semaphore(%arg14 : memref<!tpu.dma_semaphore, #tpu.memory_space<semaphore_mem>>) src(%arg8 : memref<80x512xf32, #tpu.memory_space<vmem>>) dst(%dma_wait3A_130 : memref<80x512xf32, #tpu.memory_space<hbm>>)
      %add3A_131 = arith.constant 4 : i32
      %add3A_132 = arith.addi %mul3A_68, %add3A_131 : i32
      %mul3A_133 = arith.constant 80 : i32
      %mul3A_134 = arith.muli %add3A_132, %mul3A_133 : i32
      %dma_start3A_135 = tpu.memref_slice %arg5[%mul3A_134] : memref<3120xi32, #tpu.memory_space<vmem>> -> memref<80xi32, #tpu.memory_space<vmem>>
      %dma_start3A_136 = arith.constant 0 : i32
      %dma_start3A_137 = arith.constant 0 : i32
      %dma_start3A_138 = tpu.memref_slice %arg2[%dma_start3A_136, %dma_start3A_137] : memref<100000x512xf32, #tpu.memory_space<hbm>> -> memref<100000x512xf32, #tpu.memory_space<hbm>>
      tpu.enqueue_indirect_dma source(%dma_start3A_138 : memref<100000x512xf32, #tpu.memory_space<hbm>>) target(%arg8 : memref<80x512xf32, #tpu.memory_space<vmem>>) offsets(%dma_start3A_135 : memref<80xi32, #tpu.memory_space<vmem>>) semaphore(%arg11 : memref<!tpu.dma_semaphore, #tpu.memory_space<semaphore_mem>>)
    }
    %scan3A_16 = arith.constant 12 : i32
    %dma_wait3A = arith.constant 0 : i32
    %dma_wait3A_17 = arith.constant 0 : i32
    %dma_wait3A_18 = tpu.memref_slice %arg2[%dma_wait3A, %dma_wait3A_17] : memref<100000x512xf32, #tpu.memory_space<hbm>> -> memref<100000x512xf32, #tpu.memory_space<hbm>>
    tpu.wait_indirect_dma semaphore(%arg10 : memref<!tpu.dma_semaphore, #tpu.memory_space<semaphore_mem>>) src(%dma_wait3A_18 : memref<100000x512xf32, #tpu.memory_space<hbm>>) dst(%arg7 : memref<80x512xf32, #tpu.memory_space<vmem>>)
    %add3A_19 = arith.constant 2880 : i32
    %add3A_20 = arith.addi %mul3A_2, %add3A_19 : i32
    %dma_start3A_21 = arith.constant 0 : i32
    %dma_start3A_22 = tpu.memref_slice %arg4[%add3A_20, %dma_start3A_21] : memref<100000x512xf32, #tpu.memory_space<hbm>> -> memref<80x512xf32, #tpu.memory_space<hbm>>
    %dma_start3A_23 = arith.constant 0 : i32
    %dma_start3A_24 = tpu.memref_slice %arg4[%add3A_20, %dma_start3A_23] : memref<100000x512xf32, #tpu.memory_space<hbm>> -> memref<80x512xf32, #tpu.memory_space<hbm>>
    tpu.enqueue_dma source(%arg7 : memref<80x512xf32, #tpu.memory_space<vmem>>) target(%dma_start3A_24 : memref<80x512xf32, #tpu.memory_space<hbm>>) target_semaphore(%arg13 : memref<!tpu.dma_semaphore, #tpu.memory_space<semaphore_mem>>)
    %dma_wait3A_25 = arith.constant 0 : i32
    %dma_wait3A_26 = tpu.memref_slice %arg4[%mul3A_2, %dma_wait3A_25] : memref<100000x512xf32, #tpu.memory_space<hbm>> -> memref<80x512xf32, #tpu.memory_space<hbm>>
    %dma_wait3A_27 = arith.constant 0 : i32
    %dma_wait3A_28 = tpu.memref_slice %arg4[%mul3A_2, %dma_wait3A_27] : memref<100000x512xf32, #tpu.memory_space<hbm>> -> memref<80x512xf32, #tpu.memory_space<hbm>>
    tpu.wait_dma2 semaphore(%arg15 : memref<!tpu.dma_semaphore, #tpu.memory_space<semaphore_mem>>) src(%arg9 : memref<80x512xf32, #tpu.memory_space<vmem>>) dst(%dma_wait3A_28 : memref<80x512xf32, #tpu.memory_space<hbm>>)
    %dma_start3A_29 = arith.constant 3040 : i32
    %dma_start3A_30 = tpu.memref_slice %arg5[%dma_start3A_29] : memref<3120xi32, #tpu.memory_space<vmem>> -> memref<80xi32, #tpu.memory_space<vmem>>
    %dma_start3A_31 = arith.constant 0 : i32
    %dma_start3A_32 = arith.constant 0 : i32
    %dma_start3A_33 = tpu.memref_slice %arg2[%dma_start3A_31, %dma_start3A_32] : memref<100000x512xf32, #tpu.memory_space<hbm>> -> memref<100000x512xf32, #tpu.memory_space<hbm>>
    tpu.enqueue_indirect_dma source(%dma_start3A_33 : memref<100000x512xf32, #tpu.memory_space<hbm>>) target(%arg9 : memref<80x512xf32, #tpu.memory_space<vmem>>) offsets(%dma_start3A_30 : memref<80xi32, #tpu.memory_space<vmem>>) semaphore(%arg12 : memref<!tpu.dma_semaphore, #tpu.memory_space<semaphore_mem>>)
    %dma_wait3A_34 = arith.constant 0 : i32
    %dma_wait3A_35 = arith.constant 0 : i32
    %dma_wait3A_36 = tpu.memref_slice %arg2[%dma_wait3A_34, %dma_wait3A_35] : memref<100000x512xf32, #tpu.memory_space<hbm>> -> memref<100000x512xf32, #tpu.memory_space<hbm>>
    tpu.wait_indirect_dma semaphore(%arg11 : memref<!tpu.dma_semaphore, #tpu.memory_space<semaphore_mem>>) src(%dma_wait3A_36 : memref<100000x512xf32, #tpu.memory_space<hbm>>) dst(%arg8 : memref<80x512xf32, #tpu.memory_space<vmem>>)
    %add3A_37 = arith.constant 2960 : i32
    %add3A_38 = arith.addi %mul3A_2, %add3A_37 : i32
    %dma_start3A_39 = arith.constant 0 : i32
    %dma_start3A_40 = tpu.memref_slice %arg4[%add3A_38, %dma_start3A_39] : memref<100000x512xf32, #tpu.memory_space<hbm>> -> memref<80x512xf32, #tpu.memory_space<hbm>>
    %dma_start3A_41 = arith.constant 0 : i32
    %dma_start3A_42 = tpu.memref_slice %arg4[%add3A_38, %dma_start3A_41] : memref<100000x512xf32, #tpu.memory_space<hbm>> -> memref<80x512xf32, #tpu.memory_space<hbm>>
    tpu.enqueue_dma source(%arg8 : memref<80x512xf32, #tpu.memory_space<vmem>>) target(%dma_start3A_42 : memref<80x512xf32, #tpu.memory_space<hbm>>) target_semaphore(%arg14 : memref<!tpu.dma_semaphore, #tpu.memory_space<semaphore_mem>>)
    %dma_wait3A_43 = arith.constant 0 : i32
    %dma_wait3A_44 = arith.constant 0 : i32
    %dma_wait3A_45 = tpu.memref_slice %arg2[%dma_wait3A_43, %dma_wait3A_44] : memref<100000x512xf32, #tpu.memory_space<hbm>> -> memref<100000x512xf32, #tpu.memory_space<hbm>>
    tpu.wait_indirect_dma semaphore(%arg12 : memref<!tpu.dma_semaphore, #tpu.memory_space<semaphore_mem>>) src(%dma_wait3A_45 : memref<100000x512xf32, #tpu.memory_space<hbm>>) dst(%arg9 : memref<80x512xf32, #tpu.memory_space<vmem>>)
    %add3A_46 = arith.constant 3040 : i32
    %add3A_47 = arith.addi %mul3A_2, %add3A_46 : i32
    %dma_start3A_48 = arith.constant 0 : i32
    %dma_start3A_49 = tpu.memref_slice %arg4[%add3A_47, %dma_start3A_48] : memref<100000x512xf32, #tpu.memory_space<hbm>> -> memref<80x512xf32, #tpu.memory_space<hbm>>
    %dma_start3A_50 = arith.constant 0 : i32
    %dma_start3A_51 = tpu.memref_slice %arg4[%add3A_47, %dma_start3A_50] : memref<100000x512xf32, #tpu.memory_space<hbm>> -> memref<80x512xf32, #tpu.memory_space<hbm>>
    tpu.enqueue_dma source(%arg9 : memref<80x512xf32, #tpu.memory_space<vmem>>) target(%dma_start3A_51 : memref<80x512xf32, #tpu.memory_space<hbm>>) target_semaphore(%arg15 : memref<!tpu.dma_semaphore, #tpu.memory_space<semaphore_mem>>)
    %dma_wait3A_52 = arith.constant 0 : i32
    %dma_wait3A_53 = tpu.memref_slice %arg4[%mul3A_2, %dma_wait3A_52] : memref<100000x512xf32, #tpu.memory_space<hbm>> -> memref<80x512xf32, #tpu.memory_space<hbm>>
    %dma_wait3A_54 = arith.constant 0 : i32
    %dma_wait3A_55 = tpu.memref_slice %arg4[%mul3A_2, %dma_wait3A_54] : memref<100000x512xf32, #tpu.memory_space<hbm>> -> memref<80x512xf32, #tpu.memory_space<hbm>>
    tpu.wait_dma2 semaphore(%arg14 : memref<!tpu.dma_semaphore, #tpu.memory_space<semaphore_mem>>) src(%arg8 : memref<80x512xf32, #tpu.memory_space<vmem>>) dst(%dma_wait3A_55 : memref<80x512xf32, #tpu.memory_space<hbm>>)
    %lt3A = arith.constant 2 : i32
    %lt3A_56 = arith.cmpi slt, %add3A, %lt3A : i32
    %convert_element_type3A = arith.extui %lt3A_56 : i1 to i32
    %cond3A = arith.constant 0 : i32
    %cond3A_57 = arith.cmpi ne, %convert_element_type3A, %cond3A : i32
    scf.if %cond3A_57 {
      %mul3A_66 = arith.constant 80 : i32
      %mul3A_67 = arith.muli %add3A, %mul3A_66 : i32
      %add3A_68 = arith.constant 99840 : i32
      %add3A_69 = arith.addi %add3A_68, %mul3A_67 : i32
      "tpu.region"() ({
        %run_scoped3A = tpu.sem_alloc : memref<!tpu.dma_semaphore, #tpu.memory_space<semaphore_mem>>
        %dma_start3A_76 = tpu.memref_slice %arg3[%add3A_69] : memref<100000xi32, #tpu.memory_space<hbm>> -> memref<80xi32, #tpu.memory_space<hbm>>
        %dma_start3A_77 = tpu.memref_slice %arg3[%add3A_69] : memref<100000xi32, #tpu.memory_space<hbm>> -> memref<80xi32, #tpu.memory_space<hbm>>
        tpu.enqueue_dma source(%dma_start3A_77 : memref<80xi32, #tpu.memory_space<hbm>>) target(%arg6 : memref<80xi32, #tpu.memory_space<vmem>>) target_semaphore(%run_scoped3A : memref<!tpu.dma_semaphore, #tpu.memory_space<semaphore_mem>>)
        %dma_wait3A_78 = tpu.memref_slice %arg3[%add3A_69] : memref<100000xi32, #tpu.memory_space<hbm>> -> memref<80xi32, #tpu.memory_space<hbm>>
        %dma_wait3A_79 = tpu.memref_slice %arg3[%add3A_69] : memref<100000xi32, #tpu.memory_space<hbm>> -> memref<80xi32, #tpu.memory_space<hbm>>
        tpu.wait_dma2 semaphore(%run_scoped3A : memref<!tpu.dma_semaphore, #tpu.memory_space<semaphore_mem>>) src(%dma_wait3A_79 : memref<80xi32, #tpu.memory_space<hbm>>) dst(%arg6 : memref<80xi32, #tpu.memory_space<vmem>>)
        tpu.yield
      }) : () -> ()
      %dma_start3A_70 = arith.constant 0 : i32
      %dma_start3A_71 = arith.constant 0 : i32
      %dma_start3A_72 = tpu.memref_slice %arg2[%dma_start3A_70, %dma_start3A_71] : memref<100000x512xf32, #tpu.memory_space<hbm>> -> memref<100000x512xf32, #tpu.memory_space<hbm>>
      tpu.enqueue_indirect_dma source(%dma_start3A_72 : memref<100000x512xf32, #tpu.memory_space<hbm>>) target(%arg8 : memref<80x512xf32, #tpu.memory_space<vmem>>) offsets(%arg6 : memref<80xi32, #tpu.memory_space<vmem>>) semaphore(%arg11 : memref<!tpu.dma_semaphore, #tpu.memory_space<semaphore_mem>>)
      %dma_wait3A_73 = arith.constant 0 : i32
      %dma_wait3A_74 = arith.constant 0 : i32
      %dma_wait3A_75 = tpu.memref_slice %arg2[%dma_wait3A_73, %dma_wait3A_74] : memref<100000x512xf32, #tpu.memory_space<hbm>> -> memref<100000x512xf32, #tpu.memory_space<hbm>>
      tpu.wait_indirect_dma semaphore(%arg11 : memref<!tpu.dma_semaphore, #tpu.memory_space<semaphore_mem>>) src(%dma_wait3A_75 : memref<100000x512xf32, #tpu.memory_space<hbm>>) dst(%arg8 : memref<80x512xf32, #tpu.memory_space<vmem>>)
      "tpu.region"() ({
        %run_scoped3A = tpu.sem_alloc : memref<!tpu.dma_semaphore, #tpu.memory_space<semaphore_mem>>
        %dma_start3A_76 = arith.constant 0 : i32
        %dma_start3A_77 = tpu.memref_slice %arg4[%add3A_69, %dma_start3A_76] : memref<100000x512xf32, #tpu.memory_space<hbm>> -> memref<80x512xf32, #tpu.memory_space<hbm>>
        %dma_start3A_78 = arith.constant 0 : i32
        %dma_start3A_79 = tpu.memref_slice %arg4[%add3A_69, %dma_start3A_78] : memref<100000x512xf32, #tpu.memory_space<hbm>> -> memref<80x512xf32, #tpu.memory_space<hbm>>
        tpu.enqueue_dma source(%arg8 : memref<80x512xf32, #tpu.memory_space<vmem>>) target(%dma_start3A_79 : memref<80x512xf32, #tpu.memory_space<hbm>>) target_semaphore(%run_scoped3A : memref<!tpu.dma_semaphore, #tpu.memory_space<semaphore_mem>>)
        %dma_wait3A_80 = arith.constant 0 : i32
        %dma_wait3A_81 = tpu.memref_slice %arg4[%add3A_69, %dma_wait3A_80] : memref<100000x512xf32, #tpu.memory_space<hbm>> -> memref<80x512xf32, #tpu.memory_space<hbm>>
        %dma_wait3A_82 = arith.constant 0 : i32
        %dma_wait3A_83 = tpu.memref_slice %arg4[%add3A_69, %dma_wait3A_82] : memref<100000x512xf32, #tpu.memory_space<hbm>> -> memref<80x512xf32, #tpu.memory_space<hbm>>
        tpu.wait_dma2 semaphore(%run_scoped3A : memref<!tpu.dma_semaphore, #tpu.memory_space<semaphore_mem>>) src(%arg8 : memref<80x512xf32, #tpu.memory_space<vmem>>) dst(%dma_wait3A_83 : memref<80x512xf32, #tpu.memory_space<hbm>>)
        tpu.yield
      }) : () -> ()
    } else {
    }
    %dma_wait3A_58 = arith.constant 0 : i32
    %dma_wait3A_59 = tpu.memref_slice %arg4[%mul3A_2, %dma_wait3A_58] : memref<100000x512xf32, #tpu.memory_space<hbm>> -> memref<80x512xf32, #tpu.memory_space<hbm>>
    %dma_wait3A_60 = arith.constant 0 : i32
    %dma_wait3A_61 = tpu.memref_slice %arg4[%mul3A_2, %dma_wait3A_60] : memref<100000x512xf32, #tpu.memory_space<hbm>> -> memref<80x512xf32, #tpu.memory_space<hbm>>
    tpu.wait_dma2 semaphore(%arg13 : memref<!tpu.dma_semaphore, #tpu.memory_space<semaphore_mem>>) src(%arg7 : memref<80x512xf32, #tpu.memory_space<vmem>>) dst(%dma_wait3A_61 : memref<80x512xf32, #tpu.memory_space<hbm>>)
    %dma_wait3A_62 = arith.constant 0 : i32
    %dma_wait3A_63 = tpu.memref_slice %arg4[%mul3A_2, %dma_wait3A_62] : memref<100000x512xf32, #tpu.memory_space<hbm>> -> memref<80x512xf32, #tpu.memory_space<hbm>>
    %dma_wait3A_64 = arith.constant 0 : i32
    %dma_wait3A_65 = tpu.memref_slice %arg4[%mul3A_2, %dma_wait3A_64] : memref<100000x512xf32, #tpu.memory_space<hbm>> -> memref<80x512xf32, #tpu.memory_space<hbm>>
    tpu.wait_dma2 semaphore(%arg15 : memref<!tpu.dma_semaphore, #tpu.memory_space<semaphore_mem>>) src(%arg9 : memref<80x512xf32, #tpu.memory_space<vmem>>) dst(%dma_wait3A_65 : memref<80x512xf32, #tpu.memory_space<hbm>>)
    return
  }
}

</mosaic_0001>

<sc_bundles>
// kernel: kernel.3.cloned.1.call-start
scs
__scs_entry_jumppad:
0x0: {  	(pc) =	sbr.rel $0x88, $3  }
0x1: {  	(tag) =	ssettag $0x0;
	lr =	simm.s32 $0x1  }
0x2: {  	[smem:$0x3FA0] =	sst lr;
	_ =	strace $0xD0000000  }
0x3: {  	_ = 	snop  }
0x4: {  	_ = 	snop  }
0x5: {  	_ = 	snop  }
0x6: {  	_ = 	snop  }
0x7: {  	_ = 	snop  }
__scs_overlays_trampoline_lowered:
0x8: {  	[smem:$0x3FAF] =	sst s0  }
0x9: {  	[smem:$0x3FB0] =	sst s1  }
0xa: {  	[smem:$0x3FB1] =	sst s2  }
0xb: {  	[smem:$0x3FB2] =	sst s3  }
0xc: {  	[smem:$0x3FB3] =	sst s4  }
0xd: {  	[smem:$0x3FB4] =	sst s5  }
0xe: {  	[smem:$0x3FB5] =	sst s6  }
0xf: {  	[smem:$0x3FB6] =	sst s7  }
0x10: {  	[smem:$0x3FB7] =	sst s8  }
0x11: {  	[smem:$0x3FB8] =	sst s9;
	s0 =	simm.s32 @!p0 $0x0  }
0x12: {  	s1 =	sld [smem:$0x3F9E];
	s0 =	simm.s32 @p0 $0x1  }
0x13: {  	[smem:$0x3FB9] =	sst s0;
	s0 =	simm.s32 @!p1 $0x0  }
0x14: {  	s2 =	sld [smem:$0x3F9D];
	s0 =	simm.s32 @p1 $0x1  }
0x15: {  	[smem:$0x3FBA] =	sst s0;
	s0 =	simm.s32 @!p2 $0x0  }
0x16: {  	s3 =	sld [smem:$0x3FDB];
	s0 =	simm.s32 @p2 $0x1  }
0x17: {  	s4 =	simm.s32 $0x1BF5;
	[smem:$0x3FBC] =	sst s0  }
0x18: {  	s0 =	sld [smem:$0x3F9F];
	_ =	swait.ge [sflag:s4], $0x0  }
0x19: {  	s7 =	sld [smem:$0x3FA0]  }
0x1a: {  	s8 =	sadd.s32 $0xFFFFE003, lr  }
0x1b: {  	s9 =	sadd.s32 $0xFFFFFEF7, lr;
	s5 =	simm.s32 $0xFFFFFFFF;
	p2 =	slt.u32 s8, $0xFFFFF086  }
0x1c: {  	p1 =	slt.u32 s9, $0xF7A;
	s5 =	simm.s32 @!p2 $0x0  }
0x1d: {  	s5 =	simm.s32 @p1 $0x1;
	p0 =	seq.s32 s7, s2  }
0x1e: {  	s7 =	smul.u32 @!p0 $0xF7A, s2;
	p2 =	seq.s32 @!p0 s5, $0x0  }
0x1f: {  	s9 =	smul.u32 $0xF7A, s1;
	s8 =	simm.s32 @!p0 $0x1BF5;
	p2 =	por !p2, p0  }
0x20: {  	[sflag:s8] =	ssyncset.s32 @!p0 $0xFFFFF086;
	s6 =	sadd.s32 @!p0 s3, s7;
	s7 =	simm.s32 @!p0 $0x108  }
0x21: {  	s3 =	sadd.s32 s3, s9;
	s6 =	sadd.s32 @!p0 $0x88, s6;
	s7 =	simm.s32 @p2 $0x1082  }
0x22: {  	[simem:s7], [sflag:s8] =	dma.local @!p0 [hbm:s6], $0xF7A  }
0x23: {  	s9 =	sor.u32 $0xD0000000, s2;
	s6 =	simm.s32 $0x108;
	_ =	swait.ge @!p0 [sflag:s8], $0x0  }
0x24: {  	s3 =	sadd.s32 $0x88, s3;
	s6 =	simm.s32 @!p1 $0x1082;
	[sflag:s4] =	ssyncset.s32 $0xFFFFF086  }
0x25: {  	[simem:s6], [sflag:s4] =	dma.local [hbm:s3], $0xF7A  }
0x26: {  	[smem:$0x3FA0] =	sst s1;
	(tag) =	ssettag s2;
	_ =	strace s9  }
0x27: {  	s1 =	sld [smem:$0x3FB0]  }
0x28: {  	s2 =	sld [smem:$0x3FB1]  }
0x29: {  	s4 =	sld [smem:$0x3FB3]  }
0x2a: {  	p0 =	seq.s32 s5, $0x0;
	s5 =	sld [smem:$0x3FB4]  }
0x2b: {  	s6 =	sld [smem:$0x3FB5]  }
0x2c: {  	s7 =	sld [smem:$0x3FB6]  }
0x2d: {  	s3 =	simm.s32 $0x108;
	s8 =	sld [smem:$0x3FB7]  }
0x2e: {  	s3 =	simm.s32 @!p0 $0x1082;
	s9 =	sld [smem:$0x3FB8]  }
0x2f: {  	lr =	sadd.s32 s0, s3;
	s0 =	sld [smem:$0x3FAF]  }
0x30: {  	s3 =	sld [smem:$0x3FB2]  }
0x31: {  	[smem:$0x3FBB] =	sst s10  }
0x32: {  	s10 =	sld [smem:$0x3FB9];
	_ =	sdelay $0x3  }
0x33: {  	p0 =	seq.s32 s10, $0x1;
	s10 =	sld [smem:$0x3FBB];
	_ =	sdelay $0x3  }
0x34: {  	[smem:$0x3FBB] =	sst s10  }
0x35: {  	s10 =	sld [smem:$0x3FBA];
	_ =	sdelay $0x3  }
0x36: {  	p1 =	seq.s32 s10, $0x1;
	s10 =	sld [smem:$0x3FBB];
	_ =	sdelay $0x3  }
0x37: {  	[smem:$0x3FBB] =	sst s10  }
0x38: {  	s10 =	sld [smem:$0x3FBC]  }
0x39: {  	_ = 	snop;
	(pc) =	sbr.ind lr, $3  }
0x3a: {  	_ = 	snop  }
0x3b: {  	_ = 	snop  }
0x3c: {  	p2 =	seq.s32 s10, $0x1;
	s10 =	sld [smem:$0x3FBB]  }
0x3d: {  	_ =	shalt  }
0x3e: {  	_ =	shalt  }
0x3f: {  	_ =	shalt  }
0x40: {  	_ =	shalt  }
0x41: {  	_ =	shalt  }
0x42: {  	_ =	shalt  }
0x43: {  	_ =	shalt  }
0x44: {  	_ =	shalt  }
0x45: {  	_ =	shalt  }
0x46: {  	_ =	shalt  }
0x47: {  	_ =	shalt  }
0x48: {  	_ =	shalt  }
0x49: {  	_ =	shalt  }
0x4a: {  	_ =	shalt  }
0x4b: {  	_ =	shalt  }
0x4c: {  	_ =	shalt  }
0x4d: {  	_ =	shalt  }
0x4e: {  	_ =	shalt  }
0x4f: {  	_ =	shalt  }
0x50: {  	_ =	shalt  }
0x51: {  	_ =	shalt  }
0x52: {  	_ =	shalt  }
0x53: {  	_ =	shalt  }
0x54: {  	_ =	shalt  }
0x55: {  	_ =	shalt  }
0x56: {  	_ =	shalt  }
0x57: {  	_ =	shalt  }
0x58: {  	_ =	shalt  }
0x59: {  	_ =	shalt  }
0x5a: {  	_ =	shalt  }
0x5b: {  	_ =	shalt  }
0x5c: {  	_ =	shalt  }
0x5d: {  	_ =	shalt  }
0x5e: {  	_ =	shalt  }
0x5f: {  	_ =	shalt  }
0x60: {  	_ =	shalt  }
0x61: {  	_ =	shalt  }
0x62: {  	_ =	shalt  }
0x63: {  	_ =	shalt  }
0x64: {  	_ =	shalt  }
0x65: {  	_ =	shalt  }
0x66: {  	_ =	shalt  }
0x67: {  	_ =	shalt  }
0x68: {  	_ =	shalt  }
0x69: {  	_ =	shalt  }
0x6a: {  	_ =	shalt  }
0x6b: {  	_ =	shalt  }
0x6c: {  	_ =	shalt  }
0x6d: {  	_ =	shalt  }
0x6e: {  	_ =	shalt  }
0x6f: {  	_ =	shalt  }
0x70: {  	_ =	shalt  }
0x71: {  	_ =	shalt  }
0x72: {  	_ =	shalt  }
0x73: {  	_ =	shalt  }
0x74: {  	_ =	shalt  }
0x75: {  	_ =	shalt  }
0x76: {  	_ =	shalt  }
0x77: {  	_ =	shalt  }
0x78: {  	_ =	shalt  }
0x79: {  	_ =	shalt  }
0x7a: {  	_ =	shalt  }
0x7b: {  	_ =	shalt  }
0x7c: {  	_ =	shalt  }
0x7d: {  	_ =	shalt  }
0x7e: {  	_ =	shalt  }
0x7f: {  	_ =	shalt  }
0x80: {  	_ =	shalt  }
0x81: {  	_ =	shalt  }
0x82: {  	_ =	shalt  }
0x83: {  	_ =	shalt  }
0x84: {  	_ =	shalt  }
0x85: {  	_ =	shalt  }
0x86: {  	_ =	shalt  }
0x87: {  	_ =	shalt  }
.Lfunc_end0:
.L_simem_size_0:
called_computation_lowered:
.L_overlay_start_0:
0x88: {  	s2 =	sld [smem:$0x3FD9]  }
0x89: {  	s3 =	sld [smem:$0x3FFE];
	_ =	sdelay $0x1  }
0x8a: {  	s1 =	srdreg.scid  }
0x8b: {  	s0 =	sand.u32 $0x1, s1  }
0x8c: {  	s17 =	sshll.u32 s0, $0xA;
	s2 =	sadd.s32 s3, s2  }
0x8d: {  	s2 =	sadd.s32 s2, s17  }
0x8e: {  	[smem:$0x3FC7] =	sst s2  }
0x8f: {  	_ = 	snop  }
0x90: {  	s2 =	sld [smem:$0x3FC9]  }
0x91: {  	s18 =	sld [smem:$0x3FD0];
	(tm) =	ssettm $0x1  }
0x92: {  	s4 =	sld [smem:$0x3FFB];
	_ =	sdelay $0x3  }
0x93: {  	_ =	strace s4  }
0x94: {  	s4 =	sld [smem:$0x3FFC];
	_ =	sdelay $0x3  }
0x95: {  	_ =	strace s4  }
0x96: {  	s4 =	sld [smem:$0x3FFD];
	_ =	sdelay $0x3  }
0x97: {  	_ =	strace s4  }
0x98: {  	_ =	strace $0x8FFFFFFF  }
0x99: {  	s19 =	sld [smem:$0x3FDB];
	_ =	sdelay $0x1  }
0x9a: {  	s5 =	simm.s32 $_scs_section_size  }
0x9b: {  	s6 =	simm.s32 $_size__tile_overlayer_lowered;
	s7 =	simm.s32 $_tile_overlayer_lowered  }
0x9c: {  	s22 =	simm.s32 $0x1BFF;
	s21 =	sshll.u32 s7, $0x1;
	s4 =	sadd.s32 s5, s19  }
0x9d: {  	s8 =	simm.s32 $0x0;
	s20 =	sshll.u32 s6, $0x1;
	s6 =	sadd.s32 s21, s4  }
0x9e: {  	[timem:s8], [sflag:s22] =	dma.local [hbm:s6], s20  }
0x9f: {  	_ =	swait.ge [sflag:s22], s20  }
0xa0: {  	s5 =	ssub.s32 $0x0, s20;
	[sflag:s22] =	ssyncset.done $0x0  }
0xa1: {  	[sflag:s22] =	ssyncadd.s32 s5;
	_ =	sdelay $0x1  }
0xa2: {  	s23 =	simm.s32 $0x1B8B  }
0xa3: {  	_ =	swait.ge [sflag:s23], $0x1  }
0xa4: {  	[sflag:s23] =	ssyncset.done $0x0  }
0xa5: {  	s25 =	simm.s32 $0x1B8E;
	s24 =	sld [smem:$0x3FFE];
	[sflag:s23] =	ssyncadd.s32 $0xFFFFFFFF  }
0xa6: {  	s26 =	simm.s32 $execute0_lowered;
	[smem:$0x3FD2] =	sst s25  }
0xa7: {  	s6 =	sshll.u32 s26, $0x1;
	_ =	strace $0x80000046;
	[dreg:$0x1] =	wrdreg $0xFFFFFFFF  }
0xa8: {  	s28 =	simm.s32 $_size_execute0_lowered;
	s4 =	sadd.s32 s4, s6;
	[dreg:$0x0] =	wrdreg $0x0  }
0xa9: {  	s6 =	sshll.u32 s28, $0x1;
	[dreg:$0x2] =	wrdreg s4  }
0xaa: {  	[dreg:$0x3] =	wrdreg s6  }
0xab: {  	[dreg:$0x4] =	wrdreg $0xC0  }
0xac: {  	_ =	task [dreg:s8], $0x5FFFF  }
0xad: {  	[dreg:$0x1] =	wrdreg $0xFFFFFFFF  }
0xae: {  	[dreg:$0x0] =	wrdreg $0x60  }
0xaf: {  	[dreg:$0x2] =	wrdreg s2  }
0xb0: {  	[dreg:$0x3] =	wrdreg s24  }
0xb1: {  	[dreg:$0x4] =	wrdreg s18  }
0xb2: {  	[dreg:$0x5] =	wrdreg $0x9  }
0xb3: {  	_ =	task.clear_ibuf [dreg:s8], $0x6FFFF;
	_ =	strace $0x90000046  }
0xb4: {  	s29 =	simm.s32 $0x9;
	_ =	strace $0x80000048  }
0xb5: {  	_ =	swait.ge [sflag:s29], $0x1  }
0xb6: {  	[sflag:s29] =	ssyncadd.s32 $0xFFFFFFFF  }
0xb7: {  	_ =	strace $0x90000048  }
0xb8: {  	_ =	sfence  }
0xb9: {  	s30 =	sld [smem:$0x0];
	_ =	sdelay $0x2  }
0xba: {  	s31 =	sshll.u32 s1, $0xD;
	s1 =	sshrl.u32 s1, $0x2  }
0xbb: {  	s3 =	sand.u32 $0x4000, s31;
	s1 =	sadd.s32 s1, s30  }
0xbc: {  	s0 =	sor.u32 s3, s0;
	s1 =	sshll.u32 s1, $0x11  }
0xbd: {  	s0 =	sor.u32 s1, s0  }
0xbe: {  	s0 =	sadd.s32 $0x8F2B, s0  }
0xbf: {  	[sflag:s0] =	ssyncadd.remote.s32 $0x1  }
0xc0: {  	_ =	sfence.sel $0xFFFF  }
0xc1: {  	[dreg:$0x0] =	wrdreg $0xFFFFFFFF;
	(pc) =	sbr.abs _section_cstart, $3  }
0xc2: {  	[dreg:$0x1] =	wrdreg $0xFFFFFFFF  }
0xc3: {  	_ =	task.clear_ibuf [dreg:s8], $0x2FFFF;
	_ =	strace $0x9FFFFFFF  }
0xc4: {  	(tm) =	ssettm $0x7FFFFFFF  }
0xc5: {  	_ =	shalt  }
tec
execute0_lowered:
.L_overlay_start_1:
0x0: {  	(tag) =	ssettag $0x1  }
0x1: {  	s0 =	rddreg [dreg:$0x0]  }
0x2: {  	s1 =	rddreg [dreg:$0x1]  }
0x3: {  	s2 =	srdreg.scid;
	s3 =	stileid.u32  }
0x4: {  	s5 =	rddreg [dreg:$0x2];
	s31 =	simm.s32 $0x1500;
	s11 =	simm.s32 $0x5D00  }
0x5: {  	s13 =	simm.s32 $0x6500;
	s14 =	simm.s32 $0x6D00;
	s15 =	simm.s32 $0x7D00  }
0x6: {  	s16 =	simm.s32 $0x8500;
	s17 =	simm.s32 $0x8D00;
	s18 =	simm.s32 $0x9500  }
0x7: {  	s12 =	simm.s32 $0x9D00;
	s28 =	simm.s32 $0x4;
	s29 =	simm.s32 $0x5  }
0x8: {  	s30 =	simm.s32 $0x0;
	s6 =	sand.u32 $0x1, s2;
	s4 =	sshll.u32 s3, $0x1  }
0x9: {  	s2 =	simm.s32 $0x0;
	s1 =	sadd.s32 $0x3200, s1;
	s22 =	smul.u32 $0x61800, s3  }
0xa: {  	p0 =	sne.s32 s3, $0x0;
	s3 =	simm.s32 $0x7500;
	s20 =	smul.u32 $0x50, s6  }
0xb: {  	s4 =	sor.u32 s6, s4;
	s8 =	ssub.s32 $0x2, s6;
	s6 =	smul.u32 $0x30C00, s6  }
0xc: {  	[smem:$0x7FF] =	sst s2;
	s7 =	smul.u32 $0xC30, s4;
	s9 =	sshrl.u32 s8, $0x1  }
0xd: {  	_ =	strace $0x80000047;
	s4 =	smul.u32 $0x186000, s4;
	s8 =	ssub.s32 s8, s9  }
0xe: {  	s23 =	sor.u32 $0x18600, s20;
	s20 =	simm.s32 $0x2;
	s7 =	sshrl.u32 s7, $0x3  }
0xf: {  	s19 =	sshrl.u32 s4, $0x3;
	s4 =	sadd.s32 $0x100, s0;
	s26 =	smax.u32 s8, $0x1  }
0x10: {  	s9 =	sshrl.u32 s23, $0x3;
	s7 =	sadd.s32 s1, s7;
	[dreg:$0xb] =	wrdreg s26  }
0x11: {  	s1 =	sadd.s32 s1, s9;
	[dreg:$0x5] =	wrdreg s7;
	s7 =	sadd.s32 s5, s19  }
0x12: {  	s8 =	simm.s32 $0xB500;
	[dreg:$0x9] =	wrdreg s1;
	s10 =	sadd.s32 $0x2D000, s7  }
0x13: {  	s9 =	simm.s32 $0x2D00;
	s21 =	sadd.s32 $0x2E400, s7;
	[dreg:$0x6] =	wrdreg s10  }
0x14: {  	s26 =	simm.s32 $0xA500;
	s7 =	sadd.s32 $0x2F800, s7;
	[dreg:$0x7] =	wrdreg s21  }
0x15: {  	s1 =	simm.s32 $0x2500;
	s19 =	simm.s32 $0xAD00;
	[dreg:$0x8] =	wrdreg s7  }
.Ltmp0:
0x16: {  	s7 =	sshll.u32 s23, $0x6;
	s10 =	sadd.s32 s22, s5;
	(pc) =	sbr.rel .LBB2_1-.Ltmp0, $4  }
0x17: {  	s23 =	simm.s32 $0x1D00;
	s21 =	simm.s32 $0x3;
	s24 =	sadd.s32 s5, s7  }
0x18: {  	v2 =	vlaneseq.u32;
	s25 =	sadd.s32 s6, s10;
	s5 =	simm.s32 $0x3D00;
	s6 =	simm.s32 $0x4500  }
0x19: {  	vm0 =	vmmov $0xffff;
	v1 =	vshrl.u32 v2, $0x3;
	s7 =	simm.s32 $0x4D00;
	s10 =	simm.s32 $0x5500;
	[dreg:$0xa] =	wrdreg s24  }
0x1a: {  	v0 =	vand.u32 $0x7, v2;
	v2 =	vor.u32 $0x8, v2;
	v1 =	vmul.u32 $0x8, v1;
	[dreg:$0x4] =	wrdreg s25;
	s24 =	simm.s32 $0x3500;
	s25 =	simm.s32 $0x1  }
.LBB2_5:
0x1b: {  	_ =	swait.ge [sflag:s28], $0xA000  }
0x1c: {  	[sflag:s28] =	ssyncset.done $0x0  }
0x1d: {  	s8 =	simm.s32 $0xB500;
	s30 =	sadd.s32 $0x1, s30;
	[sflag:s28] =	ssyncadd.s32 $0xFFFF6000  }
0x1e: {  	s1 =	simm.s32 $0x2500;
	s9 =	simm.s32 $0x2D00;
	_ =	swait.ge [sflag:s23], $0xA000  }
0x1f: {  	s24 =	simm.s32 $0x3500;
	s5 =	simm.s32 $0x3D00;
	s22 =	rddreg [dreg:$0xb]  }
0x20: {  	s6 =	simm.s32 $0x4500;
	s7 =	simm.s32 $0x4D00;
	p1 =	sne.s32 s30, s22  }
.Ltmp1:
0x21: {  	s10 =	simm.s32 $0x5500;
	s11 =	simm.s32 $0x5D00;
	(pc) =	sbr.rel @!p1 .LBB2_6-.Ltmp1, $4  }
0x22: {  	s13 =	simm.s32 $0x6500;
	s14 =	simm.s32 $0x6D00;
	s3 =	simm.s32 $0x7500  }
0x23: {  	s15 =	simm.s32 $0x7D00;
	s16 =	simm.s32 $0x8500;
	s17 =	simm.s32 $0x8D00  }
0x24: {  	s18 =	simm.s32 $0x9500;
	s12 =	simm.s32 $0x9D00;
	[sflag:s23] =	ssyncset.done $0x0  }
0x25: {  	s26 =	simm.s32 $0xA500;
	[sflag:s23] =	ssyncadd.s32 $0xFFFF6000;
	s23 =	simm.s32 $0x1D00  }
.LBB2_1:
0x26: {  	s22 =	rddreg [dreg:$0x5]  }
0x27: {  	[tilespmem:s2], [sflag:$0x7] =	stream.linear.gather [hbm4b:s22+s2], $0xC30, $0x38;
	[tilespmem:$0x1ED00] =	vst v63  }
0x28: {  	[dreg:$0xc] =	wrdreg s30;
	s22 =	simm.s32 $0x7  }
0x29: {  	_ =	swait.ge [sflag:s22], $0xC30  }
0x2a: {  	[sflag:s22] =	ssyncset.done $0x0  }
0x2b: {  	[sflag:s22] =	ssyncadd.s32 $0xFFFFF3D0  }
0x2c: {  	v3 =	vld [tilespmem:$0x0];
	_ =	sdelay $0x4  }
0x2d: {  	v4 =	vshll.u32 v3, $0x2  }
0x2e: {  	v3 =	vand.u32 $0x7, v3;
	v4 =	vand.u32 $0xFFFFFFE0, v4  }
0x2f: {  	v3 =	vor.u32 v3, v4  }
0x30: {  	v4 =	vperm.xlane v3, v0;
	_ =	sdelay $0x1  }
0x31: {  	v4 =	vadd.s32 v1, v4;
	_ =	sdelay $0x1  }
0x32: {  	v3 =	vperm.xlane v3, v2;
	_ =	sdelay $0x1  }
0x33: {  	s22 =	simm.s32 $0xD00;
	v3 =	vadd.s32 v1, v3  }
0x34: {  	[tilespmem:s22], [sflag:$0x1] =	stream.indirect_vreg.gather [hbm4b:s0+s2], $0x80, v4, vm0, $0xb8;
	[tilespmem:$0x1ED00] =	vst v63  }
0x35: {  	_ = 	snop  }
0x36: {  	[tilespmem:s31], [sflag:$0x1] =	stream.indirect_vreg.gather [hbm4b:s4+s2], $0x80, v4, vm0, $0xb8;
	[tilespmem:$0x1ED00] =	vst v63  }
0x37: {  	_ = 	snop  }
0x38: {  	[tilespmem:s23], [sflag:$0x1] =	stream.indirect_vreg.gather [hbm4b:s0+s2], $0x80, v3, vm0, $0xb8;
	[tilespmem:$0x1ED00] =	vst v63  }
0x39: {  	_ = 	snop  }
0x3a: {  	[tilespmem:s1], [sflag:$0x1] =	stream.indirect_vreg.gather [hbm4b:s4+s2], $0x80, v3, vm0, $0xb8;
	[tilespmem:$0x1ED00] =	vst v63  }
0x3b: {  	v3 =	vld [tilespmem:$0x10];
	_ =	sdelay $0x4  }
0x3c: {  	v55 =	vshll.u32 v3, $0x2  }
0x3d: {  	v3 =	vand.u32 $0x7, v3;
	v4 =	vand.u32 $0xFFFFFFE0, v55  }
0x3e: {  	v3 =	vor.u32 v3, v4  }
0x3f: {  	v4 =	vperm.xlane v3, v0;
	_ =	sdelay $0x1  }
0x40: {  	v4 =	vadd.s32 v1, v4;
	_ =	sdelay $0x1  }
0x41: {  	v3 =	vperm.xlane v3, v2;
	_ =	sdelay $0x1  }
0x42: {  	v3 =	vadd.s32 v1, v3  }
0x43: {  	[tilespmem:s9], [sflag:$0x1] =	stream.indirect_vreg.gather [hbm4b:s0+s2], $0x80, v4, vm0, $0xb8;
	[tilespmem:$0x1ED00] =	vst v63  }
0x44: {  	_ = 	snop  }
0x45: {  	[tilespmem:s24], [sflag:$0x1] =	stream.indirect_vreg.gather [hbm4b:s4+s2], $0x80, v4, vm0, $0xb8;
	[tilespmem:$0x1ED00] =	vst v63  }
0x46: {  	_ = 	snop  }
0x47: {  	[tilespmem:s5], [sflag:$0x1] =	stream.indirect_vreg.gather [hbm4b:s0+s2], $0x80, v3, vm0, $0xb8;
	[tilespmem:$0x1ED00] =	vst v63  }
0x48: {  	_ = 	snop  }
0x49: {  	[tilespmem:s6], [sflag:$0x1] =	stream.indirect_vreg.gather [hbm4b:s4+s2], $0x80, v3, vm0, $0xb8;
	[tilespmem:$0x1ED00] =	vst v63  }
0x4a: {  	v3 =	vld [tilespmem:$0x20];
	_ =	sdelay $0x4  }
0x4b: {  	v56 =	vshll.u32 v3, $0x2  }
0x4c: {  	v3 =	vand.u32 $0x7, v3;
	v4 =	vand.u32 $0xFFFFFFE0, v56  }
0x4d: {  	v3 =	vor.u32 v3, v4  }
0x4e: {  	v4 =	vperm.xlane v3, v0;
	_ =	sdelay $0x1  }
0x4f: {  	v4 =	vadd.s32 v1, v4;
	_ =	sdelay $0x1  }
0x50: {  	v3 =	vperm.xlane v3, v2;
	_ =	sdelay $0x1  }
0x51: {  	v3 =	vadd.s32 v1, v3  }
0x52: {  	[tilespmem:s7], [sflag:$0x1] =	stream.indirect_vreg.gather [hbm4b:s0+s2], $0x80, v4, vm0, $0xb8;
	[tilespmem:$0x1ED00] =	vst v63  }
0x53: {  	_ = 	snop  }
0x54: {  	[tilespmem:s10], [sflag:$0x1] =	stream.indirect_vreg.gather [hbm4b:s4+s2], $0x80, v4, vm0, $0xb8;
	[tilespmem:$0x1ED00] =	vst v63  }
0x55: {  	_ = 	snop  }
0x56: {  	[tilespmem:s11], [sflag:$0x1] =	stream.indirect_vreg.gather [hbm4b:s0+s2], $0x80, v3, vm0, $0xb8;
	[tilespmem:$0x1ED00] =	vst v63  }
0x57: {  	_ = 	snop  }
0x58: {  	[tilespmem:s13], [sflag:$0x1] =	stream.indirect_vreg.gather [hbm4b:s4+s2], $0x80, v3, vm0, $0xb8;
	[tilespmem:$0x1ED00] =	vst v63  }
0x59: {  	v3 =	vld [tilespmem:$0x30];
	_ =	sdelay $0x4  }
0x5a: {  	v57 =	vshll.u32 v3, $0x2  }
0x5b: {  	v3 =	vand.u32 $0x7, v3;
	v4 =	vand.u32 $0xFFFFFFE0, v57  }
0x5c: {  	v3 =	vor.u32 v3, v4  }
0x5d: {  	v4 =	vperm.xlane v3, v0;
	_ =	sdelay $0x1  }
0x5e: {  	v4 =	vadd.s32 v1, v4;
	_ =	sdelay $0x1  }
0x5f: {  	v3 =	vperm.xlane v3, v2;
	_ =	sdelay $0x1  }
0x60: {  	v3 =	vadd.s32 v1, v3  }
0x61: {  	[tilespmem:s14], [sflag:$0x1] =	stream.indirect_vreg.gather [hbm4b:s0+s2], $0x80, v4, vm0, $0xb8;
	[tilespmem:$0x1ED00] =	vst v63  }
0x62: {  	_ = 	snop  }
0x63: {  	[tilespmem:s3], [sflag:$0x1] =	stream.indirect_vreg.gather [hbm4b:s4+s2], $0x80, v4, vm0, $0xb8;
	[tilespmem:$0x1ED00] =	vst v63  }
0x64: {  	_ = 	snop  }
0x65: {  	[tilespmem:s15], [sflag:$0x1] =	stream.indirect_vreg.gather [hbm4b:s0+s2], $0x80, v3, vm0, $0xb8;
	[tilespmem:$0x1ED00] =	vst v63  }
0x66: {  	_ = 	snop  }
0x67: {  	[tilespmem:s16], [sflag:$0x1] =	stream.indirect_vreg.gather [hbm4b:s4+s2], $0x80, v3, vm0, $0xb8;
	[tilespmem:$0x1ED00] =	vst v63  }
0x68: {  	v3 =	vld [tilespmem:$0x40];
	_ =	sdelay $0x4  }
0x69: {  	v58 =	vshll.u32 v3, $0x2  }
0x6a: {  	v3 =	vand.u32 $0x7, v3;
	v4 =	vand.u32 $0xFFFFFFE0, v58  }
0x6b: {  	v3 =	vor.u32 v3, v4  }
0x6c: {  	v4 =	vperm.xlane v3, v0;
	_ =	sdelay $0x1  }
0x6d: {  	v4 =	vadd.s32 v1, v4;
	_ =	sdelay $0x1  }
0x6e: {  	v3 =	vperm.xlane v3, v2;
	_ =	sdelay $0x1  }
0x6f: {  	v3 =	vadd.s32 v1, v3  }
0x70: {  	[tilespmem:s17], [sflag:$0x1] =	stream.indirect_vreg.gather [hbm4b:s0+s2], $0x80, v4, vm0, $0xb8;
	[tilespmem:$0x1ED00] =	vst v63  }
0x71: {  	_ = 	snop  }
0x72: {  	[tilespmem:s18], [sflag:$0x1] =	stream.indirect_vreg.gather [hbm4b:s4+s2], $0x80, v4, vm0, $0xb8;
	[tilespmem:$0x1ED00] =	vst v63  }
0x73: {  	_ = 	snop  }
0x74: {  	[tilespmem:s12], [sflag:$0x1] =	stream.indirect_vreg.gather [hbm4b:s0+s2], $0x80, v3, vm0, $0xb8;
	[tilespmem:$0x1ED00] =	vst v63  }
0x75: {  	_ = 	snop  }
0x76: {  	[tilespmem:s26], [sflag:$0x1] =	stream.indirect_vreg.gather [hbm4b:s4+s2], $0x80, v3, vm0, $0xb8;
	[tilespmem:$0x1ED00] =	vst v63  }
0x77: {  	v3 =	vld [tilespmem:$0x50];
	_ =	sdelay $0x4  }
0x78: {  	v59 =	vshll.u32 v3, $0x2  }
0x79: {  	v3 =	vand.u32 $0x7, v3;
	v4 =	vand.u32 $0xFFFFFFE0, v59  }
0x7a: {  	v3 =	vor.u32 v3, v4  }
0x7b: {  	v4 =	vperm.xlane v3, v0;
	_ =	sdelay $0x1  }
0x7c: {  	v4 =	vadd.s32 v1, v4;
	_ =	sdelay $0x1  }
0x7d: {  	v3 =	vperm.xlane v3, v2;
	_ =	sdelay $0x1  }
0x7e: {  	v3 =	vadd.s32 v1, v3  }
0x7f: {  	[tilespmem:s19], [sflag:$0x2] =	stream.indirect_vreg.gather [hbm4b:s0+s2], $0x80, v4, vm0, $0xb8;
	[tilespmem:$0x1ED00] =	vst v63  }
0x80: {  	_ = 	snop  }
0x81: {  	[tilespmem:s8], [sflag:$0x2] =	stream.indirect_vreg.gather [hbm4b:s4+s2], $0x80, v4, vm0, $0xb8;
	[tilespmem:$0x1ED00] =	vst v63  }
0x82: {  	s11 =	simm.s32 $0xBD00  }
0x83: {  	[tilespmem:s11], [sflag:$0x2] =	stream.indirect_vreg.gather [hbm4b:s0+s2], $0x80, v3, vm0, $0xb8;
	[tilespmem:$0x1ED00] =	vst v63  }
0x84: {  	s12 =	simm.s32 $0xC500  }
0x85: {  	[tilespmem:s12], [sflag:$0x2] =	stream.indirect_vreg.gather [hbm4b:s4+s2], $0x80, v3, vm0, $0xb8;
	[tilespmem:$0x1ED00] =	vst v63  }
0x86: {  	v3 =	vld [tilespmem:$0x60];
	_ =	sdelay $0x4  }
0x87: {  	v60 =	vshll.u32 v3, $0x2  }
0x88: {  	v3 =	vand.u32 $0x7, v3;
	v4 =	vand.u32 $0xFFFFFFE0, v60  }
0x89: {  	v3 =	vor.u32 v3, v4  }
0x8a: {  	v4 =	vperm.xlane v3, v0;
	_ =	sdelay $0x1  }
0x8b: {  	v4 =	vadd.s32 v1, v4;
	_ =	sdelay $0x1  }
0x8c: {  	v3 =	vperm.xlane v3, v2;
	_ =	sdelay $0x1  }
0x8d: {  	s13 =	simm.s32 $0xCD00;
	v3 =	vadd.s32 v1, v3  }
0x8e: {  	[tilespmem:s13], [sflag:$0x2] =	stream.indirect_vreg.gather [hbm4b:s0+s2], $0x80, v4, vm0, $0xb8;
	[tilespmem:$0x1ED00] =	vst v63  }
0x8f: {  	s14 =	simm.s32 $0xD500  }
0x90: {  	[tilespmem:s14], [sflag:$0x2] =	stream.indirect_vreg.gather [hbm4b:s4+s2], $0x80, v4, vm0, $0xb8;
	[tilespmem:$0x1ED00] =	vst v63  }
0x91: {  	s15 =	simm.s32 $0xDD00  }
0x92: {  	[tilespmem:s15], [sflag:$0x2] =	stream.indirect_vreg.gather [hbm4b:s0+s2], $0x80, v3, vm0, $0xb8;
	[tilespmem:$0x1ED00] =	vst v63  }
0x93: {  	s16 =	simm.s32 $0xE500  }
0x94: {  	[tilespmem:s16], [sflag:$0x2] =	stream.indirect_vreg.gather [hbm4b:s4+s2], $0x80, v3, vm0, $0xb8;
	[tilespmem:$0x1ED00] =	vst v63  }
0x95: {  	v3 =	vld [tilespmem:$0x70];
	_ =	sdelay $0x4  }
0x96: {  	v61 =	vshll.u32 v3, $0x2  }
0x97: {  	v3 =	vand.u32 $0x7, v3;
	v4 =	vand.u32 $0xFFFFFFE0, v61  }
0x98: {  	v3 =	vor.u32 v3, v4  }
0x99: {  	v4 =	vperm.xlane v3, v0;
	_ =	sdelay $0x1  }
0x9a: {  	v4 =	vadd.s32 v1, v4;
	_ =	sdelay $0x1  }
0x9b: {  	v3 =	vperm.xlane v3, v2;
	_ =	sdelay $0x1  }
0x9c: {  	s17 =	simm.s32 $0xED00;
	v3 =	vadd.s32 v1, v3  }
0x9d: {  	[tilespmem:s17], [sflag:$0x2] =	stream.indirect_vreg.gather [hbm4b:s0+s2], $0x80, v4, vm0, $0xb8;
	[tilespmem:$0x1ED00] =	vst v63  }
0x9e: {  	s18 =	simm.s32 $0xF500  }
0x9f: {  	[tilespmem:s18], [sflag:$0x2] =	stream.indirect_vreg.gather [hbm4b:s4+s2], $0x80, v4, vm0, $0xb8;
	[tilespmem:$0x1ED00] =	vst v63  }
0xa0: {  	s19 =	simm.s32 $0xFD00  }
0xa1: {  	[tilespmem:s19], [sflag:$0x2] =	stream.indirect_vreg.gather [hbm4b:s0+s2], $0x80, v3, vm0, $0xb8;
	[tilespmem:$0x1ED00] =	vst v63  }
0xa2: {  	s22 =	simm.s32 $0x10500  }
0xa3: {  	[tilespmem:s22], [sflag:$0x2] =	stream.indirect_vreg.gather [hbm4b:s4+s2], $0x80, v3, vm0, $0xb8;
	[tilespmem:$0x1ED00] =	vst v63  }
0xa4: {  	v3 =	vld [tilespmem:$0x80];
	_ =	sdelay $0x4  }
0xa5: {  	v62 =	vshll.u32 v3, $0x2  }
0xa6: {  	v3 =	vand.u32 $0x7, v3;
	v4 =	vand.u32 $0xFFFFFFE0, v62  }
0xa7: {  	v3 =	vor.u32 v3, v4  }
0xa8: {  	v4 =	vperm.xlane v3, v0;
	_ =	sdelay $0x1  }
0xa9: {  	v4 =	vadd.s32 v1, v4;
	_ =	sdelay $0x1  }
0xaa: {  	v3 =	vperm.xlane v3, v2;
	_ =	sdelay $0x1  }
0xab: {  	s23 =	simm.s32 $0x10D00;
	v3 =	vadd.s32 v1, v3  }
0xac: {  	[tilespmem:s23], [sflag:$0x2] =	stream.indirect_vreg.gather [hbm4b:s0+s2], $0x80, v4, vm0, $0xb8;
	[tilespmem:$0x1ED00] =	vst v63  }
0xad: {  	s24 =	simm.s32 $0x11500  }
0xae: {  	[tilespmem:s24], [sflag:$0x2] =	stream.indirect_vreg.gather [hbm4b:s4+s2], $0x80, v4, vm0, $0xb8;
	[tilespmem:$0x1ED00] =	vst v63  }
0xaf: {  	s26 =	simm.s32 $0x11D00  }
0xb0: {  	[tilespmem:s26], [sflag:$0x2] =	stream.indirect_vreg.gather [hbm4b:s0+s2], $0x80, v3, vm0, $0xb8;
	[tilespmem:$0x1ED00] =	vst v63  }
0xb1: {  	s31 =	simm.s32 $0x12500  }
0xb2: {  	[tilespmem:s31], [sflag:$0x2] =	stream.indirect_vreg.gather [hbm4b:s4+s2], $0x80, v3, vm0, $0xb8;
	[tilespmem:$0x1ED00] =	vst v63  }
0xb3: {  	v3 =	vld [tilespmem:$0x90];
	_ =	sdelay $0x4  }
0xb4: {  	v63 =	vshll.u32 v3, $0x2  }
0xb5: {  	v3 =	vand.u32 $0x7, v3;
	v4 =	vand.u32 $0xFFFFFFE0, v63  }
0xb6: {  	v3 =	vor.u32 v3, v4  }
0xb7: {  	v4 =	vperm.xlane v3, v0;
	_ =	sdelay $0x1  }
0xb8: {  	v4 =	vadd.s32 v1, v4  }
0xb9: {  	s30 =	simm.s32 $0x0;
	s1 =	simm.s32 $0x12D00  }
0xba: {  	s9 =	simm.s32 $0x14500;
	s5 =	simm.s32 $0xA500;
	s6 =	simm.s32 $0xB500;
	v3 =	vperm.xlane v3, v2  }
0xbb: {  	s7 =	simm.s32 $0x14D00;
	s10 =	simm.s32 $0x13500;
	s8 =	simm.s32 $0xD00  }
0xbc: {  	s11 =	simm.s32 $0x5D00;
	s12 =	simm.s32 $0x9D00;
	s13 =	simm.s32 $0x6500;
	v3 =	vadd.s32 v1, v3  }
0xbd: {  	[tilespmem:s1], [sflag:$0x2] =	stream.indirect_vreg.gather [hbm4b:s0+s2], $0x80, v4, vm0, $0xb8;
	[tilespmem:$0x1ED00] =	vst v63  }
0xbe: {  	s14 =	simm.s32 $0x6D00;
	s15 =	simm.s32 $0x7500;
	s16 =	simm.s32 $0x7D00  }
0xbf: {  	[tilespmem:s10], [sflag:$0x2] =	stream.indirect_vreg.gather [hbm4b:s4+s2], $0x80, v4, vm0, $0xb8;
	[tilespmem:$0x1ED00] =	vst v63  }
0xc0: {  	s17 =	simm.s32 $0x8500;
	s18 =	simm.s32 $0x8D00;
	s24 =	simm.s32 $0x13D00  }
0xc1: {  	[tilespmem:s24], [sflag:$0x2] =	stream.indirect_vreg.gather [hbm4b:s0+s2], $0x80, v3, vm0, $0xb8;
	[tilespmem:$0x1ED00] =	vst v63  }
0xc2: {  	s19 =	simm.s32 $0x9500;
	s22 =	simm.s32 $0xC0;
	s26 =	simm.s32 $0xAD00  }
0xc3: {  	[tilespmem:s9], [sflag:$0x2] =	stream.indirect_vreg.gather [hbm4b:s4+s2], $0x80, v3, vm0, $0xb8;
	[tilespmem:$0x1ED00] =	vst v63  }
.LBB2_2:
0xc4: {  	_ =	swait.ge [sflag:s25], $0xA000  }
0xc5: {  	p1 =	seq.s32 s30, $0x0;
	s23 =	rddreg [dreg:$0x4];
	[sflag:s25] =	ssyncset.done $0x0  }
0xc6: {  	s31 =	simm.s32 @!p1 $0x6;
	[sflag:s25] =	ssyncadd.s32 $0xFFFF6000;
	s23 =	sadd.s32 s30, s23  }
0xc7: {  	[hbm4b:s23+s2] =	stream.linear.scatter [tilespmem:s8], [sflag:$0x4], $0xA000, $0x38;
	[tilespmem:$0x1ED00] =	vst v63  }
0xc8: {  	_ =	swait.ge @!p1 [sflag:s31], $0xA000  }
0xc9: {  	[sflag:s31] =	ssyncset.done @!p1 $0x0  }
0xca: {  	[sflag:s31] =	ssyncadd.s32 @!p1 $0xFFFF6000  }
0xcb: {  	v3 =	vld [tilespmem:s22+$0xFFFFFFE0];
	_ =	sdelay $0x4  }
0xcc: {  	v4 =	vshll.u32 v3, $0x2  }
0xcd: {  	v3 =	vand.u32 $0x7, v3;
	v4 =	vand.u32 $0xFFFFFFE0, v4  }
0xce: {  	v3 =	vor.u32 v3, v4  }
0xcf: {  	v4 =	vperm.xlane v3, v0;
	_ =	sdelay $0x1  }
0xd0: {  	v4 =	vadd.s32 v1, v4;
	_ =	sdelay $0x1  }
0xd1: {  	v3 =	vperm.xlane v3, v2;
	_ =	sdelay $0x1  }
0xd2: {  	v3 =	vadd.s32 v1, v3  }
0xd3: {  	[tilespmem:s7], [sflag:$0x3] =	stream.indirect_vreg.gather [hbm4b:s0+s2], $0x80, v4, vm0, $0xb8;
	[tilespmem:$0x1ED00] =	vst v63  }
0xd4: {  	s31 =	simm.s32 $0x15500  }
0xd5: {  	[tilespmem:s31], [sflag:$0x3] =	stream.indirect_vreg.gather [hbm4b:s4+s2], $0x80, v4, vm0, $0xb8;
	[tilespmem:$0x1ED00] =	vst v63  }
0xd6: {  	s31 =	simm.s32 $0x15D00  }
0xd7: {  	[tilespmem:s31], [sflag:$0x3] =	stream.indirect_vreg.gather [hbm4b:s0+s2], $0x80, v3, vm0, $0xb8;
	[tilespmem:$0x1ED00] =	vst v63  }
0xd8: {  	s31 =	simm.s32 $0x16500  }
0xd9: {  	[tilespmem:s31], [sflag:$0x3] =	stream.indirect_vreg.gather [hbm4b:s4+s2], $0x80, v3, vm0, $0xb8;
	[tilespmem:$0x1ED00] =	vst v63  }
0xda: {  	v3 =	vld [tilespmem:s22+$0xFFFFFFF0];
	_ =	sdelay $0x4  }
0xdb: {  	v50 =	vshll.u32 v3, $0x2  }
0xdc: {  	v3 =	vand.u32 $0x7, v3;
	v4 =	vand.u32 $0xFFFFFFE0, v50  }
0xdd: {  	v3 =	vor.u32 v3, v4  }
0xde: {  	v4 =	vperm.xlane v3, v0;
	_ =	sdelay $0x1  }
0xdf: {  	v4 =	vadd.s32 v1, v4;
	_ =	sdelay $0x1  }
0xe0: {  	v3 =	vperm.xlane v3, v2;
	_ =	sdelay $0x1  }
0xe1: {  	s31 =	simm.s32 $0x16D00;
	v3 =	vadd.s32 v1, v3  }
0xe2: {  	[tilespmem:s31], [sflag:$0x3] =	stream.indirect_vreg.gather [hbm4b:s0+s2], $0x80, v4, vm0, $0xb8;
	[tilespmem:$0x1ED00] =	vst v63  }
0xe3: {  	s31 =	simm.s32 $0x17500  }
0xe4: {  	[tilespmem:s31], [sflag:$0x3] =	stream.indirect_vreg.gather [hbm4b:s4+s2], $0x80, v4, vm0, $0xb8;
	[tilespmem:$0x1ED00] =	vst v63  }
0xe5: {  	s31 =	simm.s32 $0x17D00  }
0xe6: {  	[tilespmem:s31], [sflag:$0x3] =	stream.indirect_vreg.gather [hbm4b:s0+s2], $0x80, v3, vm0, $0xb8;
	[tilespmem:$0x1ED00] =	vst v63  }
0xe7: {  	s31 =	simm.s32 $0x18500  }
0xe8: {  	[tilespmem:s31], [sflag:$0x3] =	stream.indirect_vreg.gather [hbm4b:s4+s2], $0x80, v3, vm0, $0xb8;
	[tilespmem:$0x1ED00] =	vst v63  }
0xe9: {  	v3 =	vld [tilespmem:s22+$0x0];
	_ =	sdelay $0x4  }
0xea: {  	v51 =	vshll.u32 v3, $0x2  }
0xeb: {  	v3 =	vand.u32 $0x7, v3;
	v4 =	vand.u32 $0xFFFFFFE0, v51  }
0xec: {  	v3 =	vor.u32 v3, v4  }
0xed: {  	v4 =	vperm.xlane v3, v0;
	_ =	sdelay $0x1  }
0xee: {  	v4 =	vadd.s32 v1, v4;
	_ =	sdelay $0x1  }
0xef: {  	v3 =	vperm.xlane v3, v2;
	_ =	sdelay $0x1  }
0xf0: {  	s31 =	simm.s32 $0x18D00;
	v3 =	vadd.s32 v1, v3  }
0xf1: {  	[tilespmem:s31], [sflag:$0x3] =	stream.indirect_vreg.gather [hbm4b:s0+s2], $0x80, v4, vm0, $0xb8;
	[tilespmem:$0x1ED00] =	vst v63  }
0xf2: {  	s31 =	simm.s32 $0x19500  }
0xf3: {  	[tilespmem:s31], [sflag:$0x3] =	stream.indirect_vreg.gather [hbm4b:s4+s2], $0x80, v4, vm0, $0xb8;
	[tilespmem:$0x1ED00] =	vst v63  }
0xf4: {  	s31 =	simm.s32 $0x19D00  }
0xf5: {  	[tilespmem:s31], [sflag:$0x3] =	stream.indirect_vreg.gather [hbm4b:s0+s2], $0x80, v3, vm0, $0xb8;
	[tilespmem:$0x1ED00] =	vst v63  }
0xf6: {  	s31 =	simm.s32 $0x1A500  }
0xf7: {  	[tilespmem:s31], [sflag:$0x3] =	stream.indirect_vreg.gather [hbm4b:s4+s2], $0x80, v3, vm0, $0xb8;
	[tilespmem:$0x1ED00] =	vst v63  }
0xf8: {  	v3 =	vld [tilespmem:s22+$0x10];
	_ =	sdelay $0x4  }
0xf9: {  	v52 =	vshll.u32 v3, $0x2  }
0xfa: {  	v3 =	vand.u32 $0x7, v3;
	v4 =	vand.u32 $0xFFFFFFE0, v52  }
0xfb: {  	v3 =	vor.u32 v3, v4  }
0xfc: {  	v4 =	vperm.xlane v3, v0;
	_ =	sdelay $0x1  }
0xfd: {  	v4 =	vadd.s32 v1, v4;
	_ =	sdelay $0x1  }
0xfe: {  	v3 =	vperm.xlane v3, v2;
	_ =	sdelay $0x1  }
0xff: {  	s31 =	simm.s32 $0x1AD00;
	v3 =	vadd.s32 v1, v3  }
0x100: {  	[tilespmem:s31], [sflag:$0x3] =	stream.indirect_vreg.gather [hbm4b:s0+s2], $0x80, v4, vm0, $0xb8;
	[tilespmem:$0x1ED00] =	vst v63  }
0x101: {  	s31 =	simm.s32 $0x1B500  }
0x102: {  	[tilespmem:s31], [sflag:$0x3] =	stream.indirect_vreg.gather [hbm4b:s4+s2], $0x80, v4, vm0, $0xb8;
	[tilespmem:$0x1ED00] =	vst v63  }
0x103: {  	s31 =	simm.s32 $0x1BD00  }
0x104: {  	[tilespmem:s31], [sflag:$0x3] =	stream.indirect_vreg.gather [hbm4b:s0+s2], $0x80, v3, vm0, $0xb8;
	[tilespmem:$0x1ED00] =	vst v63  }
0x105: {  	s31 =	simm.s32 $0x1C500  }
0x106: {  	[tilespmem:s31], [sflag:$0x3] =	stream.indirect_vreg.gather [hbm4b:s4+s2], $0x80, v3, vm0, $0xb8;
	[tilespmem:$0x1ED00] =	vst v63  }
0x107: {  	v3 =	vld [tilespmem:s22+$0x20];
	_ =	sdelay $0x4  }
0x108: {  	v53 =	vshll.u32 v3, $0x2  }
0x109: {  	v3 =	vand.u32 $0x7, v3;
	v4 =	vand.u32 $0xFFFFFFE0, v53  }
0x10a: {  	v3 =	vor.u32 v3, v4  }
0x10b: {  	v4 =	vperm.xlane v3, v0;
	_ =	sdelay $0x1  }
0x10c: {  	v4 =	vadd.s32 v1, v4;
	_ =	sdelay $0x1  }
0x10d: {  	v3 =	vperm.xlane v3, v2;
	_ =	sdelay $0x1  }
0x10e: {  	s31 =	simm.s32 $0x1CD00;
	v3 =	vadd.s32 v1, v3  }
0x10f: {  	[tilespmem:s31], [sflag:$0x3] =	stream.indirect_vreg.gather [hbm4b:s0+s2], $0x80, v4, vm0, $0xb8;
	[tilespmem:$0x1ED00] =	vst v63  }
0x110: {  	s31 =	simm.s32 $0x1D500  }
0x111: {  	[tilespmem:s31], [sflag:$0x3] =	stream.indirect_vreg.gather [hbm4b:s4+s2], $0x80, v4, vm0, $0xb8;
	[tilespmem:$0x1ED00] =	vst v63  }
0x112: {  	s31 =	simm.s32 $0x1DD00  }
0x113: {  	[tilespmem:s31], [sflag:$0x3] =	stream.indirect_vreg.gather [hbm4b:s0+s2], $0x80, v3, vm0, $0xb8;
	[tilespmem:$0x1ED00] =	vst v63  }
0x114: {  	s31 =	simm.s32 $0x1E500  }
0x115: {  	[tilespmem:s31], [sflag:$0x3] =	stream.indirect_vreg.gather [hbm4b:s4+s2], $0x80, v3, vm0, $0xb8;
	[tilespmem:$0x1ED00] =	vst v63  }
0x116: {  	_ =	swait.ge [sflag:s20], $0xA000  }
0x117: {  	[sflag:s20] =	ssyncset.done $0x0  }
0x118: {  	s31 =	sadd.s32 $0x1400, s23;
	[sflag:s20] =	ssyncadd.s32 $0xFFFF6000  }
0x119: {  	[hbm4b:s31+s2] =	stream.linear.scatter [tilespmem:s26], [sflag:$0x5], $0xA000, $0x38;
	[tilespmem:$0x1ED00] =	vst v63  }
0x11a: {  	_ =	swait.ge [sflag:s28], $0xA000  }
0x11b: {  	[sflag:s28] =	ssyncset.done $0x0  }
0x11c: {  	[sflag:s28] =	ssyncadd.s32 $0xFFFF6000  }
0x11d: {  	v3 =	vld [tilespmem:s22+$0x30];
	_ =	sdelay $0x4  }
0x11e: {  	v54 =	vshll.u32 v3, $0x2  }
0x11f: {  	v3 =	vand.u32 $0x7, v3;
	v4 =	vand.u32 $0xFFFFFFE0, v54  }
0x120: {  	v3 =	vor.u32 v3, v4  }
0x121: {  	v4 =	vperm.xlane v3, v0;
	_ =	sdelay $0x1  }
0x122: {  	v4 =	vadd.s32 v1, v4;
	_ =	sdelay $0x1  }
0x123: {  	v3 =	vperm.xlane v3, v2;
	_ =	sdelay $0x1  }
0x124: {  	v3 =	vadd.s32 v1, v3  }
0x125: {  	[tilespmem:s8], [sflag:$0x1] =	stream.indirect_vreg.gather [hbm4b:s0+s2], $0x80, v4, vm0, $0xb8;
	[tilespmem:$0x1ED00] =	vst v63  }
0x126: {  	s31 =	simm.s32 $0x1500  }
0x127: {  	[tilespmem:s31], [sflag:$0x1] =	stream.indirect_vreg.gather [hbm4b:s4+s2], $0x80, v4, vm0, $0xb8;
	[tilespmem:$0x1ED00] =	vst v63  }
0x128: {  	s3 =	simm.s32 $0x1D00  }
0x129: {  	[tilespmem:s3], [sflag:$0x1] =	stream.indirect_vreg.gather [hbm4b:s0+s2], $0x80, v3, vm0, $0xb8;
	[tilespmem:$0x1ED00] =	vst v63  }
0x12a: {  	s3 =	simm.s32 $0x2500  }
0x12b: {  	[tilespmem:s3], [sflag:$0x1] =	stream.indirect_vreg.gather [hbm4b:s4+s2], $0x80, v3, vm0, $0xb8;
	[tilespmem:$0x1ED00] =	vst v63  }
0x12c: {  	v3 =	vld [tilespmem:s22+$0x40];
	_ =	sdelay $0x4  }
0x12d: {  	v55 =	vshll.u32 v3, $0x2  }
0x12e: {  	v3 =	vand.u32 $0x7, v3;
	v4 =	vand.u32 $0xFFFFFFE0, v55  }
0x12f: {  	v3 =	vor.u32 v3, v4  }
0x130: {  	v4 =	vperm.xlane v3, v0;
	_ =	sdelay $0x1  }
0x131: {  	v4 =	vadd.s32 v1, v4;
	_ =	sdelay $0x1  }
0x132: {  	v3 =	vperm.xlane v3, v2;
	_ =	sdelay $0x1  }
0x133: {  	s3 =	simm.s32 $0x2D00;
	v3 =	vadd.s32 v1, v3  }
0x134: {  	[tilespmem:s3], [sflag:$0x1] =	stream.indirect_vreg.gather [hbm4b:s0+s2], $0x80, v4, vm0, $0xb8;
	[tilespmem:$0x1ED00] =	vst v63  }
0x135: {  	s3 =	simm.s32 $0x3500  }
0x136: {  	[tilespmem:s3], [sflag:$0x1] =	stream.indirect_vreg.gather [hbm4b:s4+s2], $0x80, v4, vm0, $0xb8;
	[tilespmem:$0x1ED00] =	vst v63  }
0x137: {  	s3 =	simm.s32 $0x3D00  }
0x138: {  	[tilespmem:s3], [sflag:$0x1] =	stream.indirect_vreg.gather [hbm4b:s0+s2], $0x80, v3, vm0, $0xb8;
	[tilespmem:$0x1ED00] =	vst v63  }
0x139: {  	s3 =	simm.s32 $0x4500  }
0x13a: {  	[tilespmem:s3], [sflag:$0x1] =	stream.indirect_vreg.gather [hbm4b:s4+s2], $0x80, v3, vm0, $0xb8;
	[tilespmem:$0x1ED00] =	vst v63  }
0x13b: {  	v3 =	vld [tilespmem:s22+$0x50];
	_ =	sdelay $0x4  }
0x13c: {  	v56 =	vshll.u32 v3, $0x2  }
0x13d: {  	v3 =	vand.u32 $0x7, v3;
	v4 =	vand.u32 $0xFFFFFFE0, v56  }
0x13e: {  	v3 =	vor.u32 v3, v4  }
0x13f: {  	v4 =	vperm.xlane v3, v0;
	_ =	sdelay $0x1  }
0x140: {  	v4 =	vadd.s32 v1, v4;
	_ =	sdelay $0x1  }
0x141: {  	v3 =	vperm.xlane v3, v2;
	_ =	sdelay $0x1  }
0x142: {  	s3 =	simm.s32 $0x4D00;
	v3 =	vadd.s32 v1, v3  }
0x143: {  	[tilespmem:s3], [sflag:$0x1] =	stream.indirect_vreg.gather [hbm4b:s0+s2], $0x80, v4, vm0, $0xb8;
	[tilespmem:$0x1ED00] =	vst v63  }
0x144: {  	s3 =	simm.s32 $0x5500  }
0x145: {  	[tilespmem:s3], [sflag:$0x1] =	stream.indirect_vreg.gather [hbm4b:s4+s2], $0x80, v4, vm0, $0xb8;
	[tilespmem:$0x1ED00] =	vst v63  }
0x146: {  	_ = 	snop  }
0x147: {  	[tilespmem:s11], [sflag:$0x1] =	stream.indirect_vreg.gather [hbm4b:s0+s2], $0x80, v3, vm0, $0xb8;
	[tilespmem:$0x1ED00] =	vst v63  }
0x148: {  	_ = 	snop  }
0x149: {  	[tilespmem:s13], [sflag:$0x1] =	stream.indirect_vreg.gather [hbm4b:s4+s2], $0x80, v3, vm0, $0xb8;
	[tilespmem:$0x1ED00] =	vst v63  }
0x14a: {  	v3 =	vld [tilespmem:s22+$0x60];
	_ =	sdelay $0x4  }
0x14b: {  	v57 =	vshll.u32 v3, $0x2  }
0x14c: {  	v3 =	vand.u32 $0x7, v3;
	v4 =	vand.u32 $0xFFFFFFE0, v57  }
0x14d: {  	v3 =	vor.u32 v3, v4  }
0x14e: {  	v4 =	vperm.xlane v3, v0;
	_ =	sdelay $0x1  }
0x14f: {  	v4 =	vadd.s32 v1, v4;
	_ =	sdelay $0x1  }
0x150: {  	v3 =	vperm.xlane v3, v2;
	_ =	sdelay $0x1  }
0x151: {  	v3 =	vadd.s32 v1, v3  }
0x152: {  	[tilespmem:s14], [sflag:$0x1] =	stream.indirect_vreg.gather [hbm4b:s0+s2], $0x80, v4, vm0, $0xb8;
	[tilespmem:$0x1ED00] =	vst v63  }
0x153: {  	_ = 	snop  }
0x154: {  	[tilespmem:s15], [sflag:$0x1] =	stream.indirect_vreg.gather [hbm4b:s4+s2], $0x80, v4, vm0, $0xb8;
	[tilespmem:$0x1ED00] =	vst v63  }
0x155: {  	_ = 	snop  }
0x156: {  	[tilespmem:s16], [sflag:$0x1] =	stream.indirect_vreg.gather [hbm4b:s0+s2], $0x80, v3, vm0, $0xb8;
	[tilespmem:$0x1ED00] =	vst v63  }
0x157: {  	_ = 	snop  }
0x158: {  	[tilespmem:s17], [sflag:$0x1] =	stream.indirect_vreg.gather [hbm4b:s4+s2], $0x80, v3, vm0, $0xb8;
	[tilespmem:$0x1ED00] =	vst v63  }
0x159: {  	v3 =	vld [tilespmem:s22+$0x70];
	_ =	sdelay $0x4  }
0x15a: {  	v58 =	vshll.u32 v3, $0x2  }
0x15b: {  	v3 =	vand.u32 $0x7, v3;
	v4 =	vand.u32 $0xFFFFFFE0, v58  }
0x15c: {  	v3 =	vor.u32 v3, v4  }
0x15d: {  	v4 =	vperm.xlane v3, v0;
	_ =	sdelay $0x1  }
0x15e: {  	v4 =	vadd.s32 v1, v4;
	_ =	sdelay $0x1  }
0x15f: {  	v3 =	vperm.xlane v3, v2;
	_ =	sdelay $0x1  }
0x160: {  	v3 =	vadd.s32 v1, v3  }
0x161: {  	[tilespmem:s18], [sflag:$0x1] =	stream.indirect_vreg.gather [hbm4b:s0+s2], $0x80, v4, vm0, $0xb8;
	[tilespmem:$0x1ED00] =	vst v63  }
0x162: {  	_ = 	snop  }
0x163: {  	[tilespmem:s19], [sflag:$0x1] =	stream.indirect_vreg.gather [hbm4b:s4+s2], $0x80, v4, vm0, $0xb8;
	[tilespmem:$0x1ED00] =	vst v63  }
0x164: {  	_ = 	snop  }
0x165: {  	[tilespmem:s12], [sflag:$0x1] =	stream.indirect_vreg.gather [hbm4b:s0+s2], $0x80, v3, vm0, $0xb8;
	[tilespmem:$0x1ED00] =	vst v63  }
0x166: {  	_ = 	snop  }
0x167: {  	[tilespmem:s5], [sflag:$0x1] =	stream.indirect_vreg.gather [hbm4b:s4+s2], $0x80, v3, vm0, $0xb8;
	[tilespmem:$0x1ED00] =	vst v63  }
0x168: {  	_ =	swait.ge [sflag:s21], $0xA000  }
0x169: {  	[sflag:s21] =	ssyncset.done $0x0  }
0x16a: {  	s23 =	sadd.s32 $0x2800, s23;
	[sflag:s21] =	ssyncadd.s32 $0xFFFF6000  }
0x16b: {  	[hbm4b:s23+s2] =	stream.linear.scatter [tilespmem:s7], [sflag:$0x6], $0xA000, $0x38;
	[tilespmem:$0x1ED00] =	vst v63  }
0x16c: {  	_ =	swait.ge [sflag:s29], $0xA000  }
0x16d: {  	[sflag:s29] =	ssyncset.done $0x0  }
0x16e: {  	[sflag:s29] =	ssyncadd.s32 $0xFFFF6000  }
0x16f: {  	v3 =	vld [tilespmem:s22+$0x80];
	_ =	sdelay $0x4  }
0x170: {  	v59 =	vshll.u32 v3, $0x2  }
0x171: {  	v3 =	vand.u32 $0x7, v3;
	v4 =	vand.u32 $0xFFFFFFE0, v59  }
0x172: {  	v3 =	vor.u32 v3, v4  }
0x173: {  	v4 =	vperm.xlane v3, v0;
	_ =	sdelay $0x1  }
0x174: {  	v4 =	vadd.s32 v1, v4;
	_ =	sdelay $0x1  }
0x175: {  	v3 =	vperm.xlane v3, v2;
	_ =	sdelay $0x1  }
0x176: {  	v3 =	vadd.s32 v1, v3  }
0x177: {  	[tilespmem:s26], [sflag:$0x2] =	stream.indirect_vreg.gather [hbm4b:s0+s2], $0x80, v4, vm0, $0xb8;
	[tilespmem:$0x1ED00] =	vst v63  }
0x178: {  	_ = 	snop  }
0x179: {  	[tilespmem:s6], [sflag:$0x2] =	stream.indirect_vreg.gather [hbm4b:s4+s2], $0x80, v4, vm0, $0xb8;
	[tilespmem:$0x1ED00] =	vst v63  }
0x17a: {  	s3 =	simm.s32 $0xBD00  }
0x17b: {  	[tilespmem:s3], [sflag:$0x2] =	stream.indirect_vreg.gather [hbm4b:s0+s2], $0x80, v3, vm0, $0xb8;
	[tilespmem:$0x1ED00] =	vst v63  }
0x17c: {  	s3 =	simm.s32 $0xC500  }
0x17d: {  	[tilespmem:s3], [sflag:$0x2] =	stream.indirect_vreg.gather [hbm4b:s4+s2], $0x80, v3, vm0, $0xb8;
	[tilespmem:$0x1ED00] =	vst v63  }
0x17e: {  	v3 =	vld [tilespmem:s22+$0x90];
	_ =	sdelay $0x4  }
0x17f: {  	v60 =	vshll.u32 v3, $0x2  }
0x180: {  	v3 =	vand.u32 $0x7, v3;
	v4 =	vand.u32 $0xFFFFFFE0, v60  }
0x181: {  	v3 =	vor.u32 v3, v4  }
0x182: {  	v4 =	vperm.xlane v3, v0;
	_ =	sdelay $0x1  }
0x183: {  	v4 =	vadd.s32 v1, v4;
	_ =	sdelay $0x1  }
0x184: {  	v3 =	vperm.xlane v3, v2;
	_ =	sdelay $0x1  }
0x185: {  	s3 =	simm.s32 $0xCD00;
	v3 =	vadd.s32 v1, v3  }
0x186: {  	[tilespmem:s3], [sflag:$0x2] =	stream.indirect_vreg.gather [hbm4b:s0+s2], $0x80, v4, vm0, $0xb8;
	[tilespmem:$0x1ED00] =	vst v63  }
0x187: {  	s3 =	simm.s32 $0xD500  }
0x188: {  	[tilespmem:s3], [sflag:$0x2] =	stream.indirect_vreg.gather [hbm4b:s4+s2], $0x80, v4, vm0, $0xb8;
	[tilespmem:$0x1ED00] =	vst v63  }
0x189: {  	s3 =	simm.s32 $0xDD00  }
0x18a: {  	[tilespmem:s3], [sflag:$0x2] =	stream.indirect_vreg.gather [hbm4b:s0+s2], $0x80, v3, vm0, $0xb8;
	[tilespmem:$0x1ED00] =	vst v63  }
0x18b: {  	s3 =	simm.s32 $0xE500  }
0x18c: {  	[tilespmem:s3], [sflag:$0x2] =	stream.indirect_vreg.gather [hbm4b:s4+s2], $0x80, v3, vm0, $0xb8;
	[tilespmem:$0x1ED00] =	vst v63  }
0x18d: {  	v3 =	vld [tilespmem:s22+$0xA0];
	_ =	sdelay $0x4  }
0x18e: {  	v61 =	vshll.u32 v3, $0x2  }
0x18f: {  	v3 =	vand.u32 $0x7, v3;
	v4 =	vand.u32 $0xFFFFFFE0, v61  }
0x190: {  	v3 =	vor.u32 v3, v4  }
0x191: {  	v4 =	vperm.xlane v3, v0;
	_ =	sdelay $0x1  }
0x192: {  	v4 =	vadd.s32 v1, v4;
	_ =	sdelay $0x1  }
0x193: {  	v3 =	vperm.xlane v3, v2;
	_ =	sdelay $0x1  }
0x194: {  	s3 =	simm.s32 $0xED00;
	v3 =	vadd.s32 v1, v3  }
0x195: {  	[tilespmem:s3], [sflag:$0x2] =	stream.indirect_vreg.gather [hbm4b:s0+s2], $0x80, v4, vm0, $0xb8;
	[tilespmem:$0x1ED00] =	vst v63  }
0x196: {  	s3 =	simm.s32 $0xF500  }
0x197: {  	[tilespmem:s3], [sflag:$0x2] =	stream.indirect_vreg.gather [hbm4b:s4+s2], $0x80, v4, vm0, $0xb8;
	[tilespmem:$0x1ED00] =	vst v63  }
0x198: {  	s3 =	simm.s32 $0xFD00  }
0x199: {  	[tilespmem:s3], [sflag:$0x2] =	stream.indirect_vreg.gather [hbm4b:s0+s2], $0x80, v3, vm0, $0xb8;
	[tilespmem:$0x1ED00] =	vst v63  }
0x19a: {  	s3 =	simm.s32 $0x10500  }
0x19b: {  	[tilespmem:s3], [sflag:$0x2] =	stream.indirect_vreg.gather [hbm4b:s4+s2], $0x80, v3, vm0, $0xb8;
	[tilespmem:$0x1ED00] =	vst v63  }
0x19c: {  	v3 =	vld [tilespmem:s22+$0xB0];
	_ =	sdelay $0x4  }
0x19d: {  	v62 =	vshll.u32 v3, $0x2  }
0x19e: {  	v3 =	vand.u32 $0x7, v3;
	v4 =	vand.u32 $0xFFFFFFE0, v62  }
0x19f: {  	v3 =	vor.u32 v3, v4  }
0x1a0: {  	v4 =	vperm.xlane v3, v0;
	_ =	sdelay $0x1  }
0x1a1: {  	v4 =	vadd.s32 v1, v4;
	_ =	sdelay $0x1  }
0x1a2: {  	v3 =	vperm.xlane v3, v2;
	_ =	sdelay $0x1  }
0x1a3: {  	s3 =	simm.s32 $0x10D00;
	v3 =	vadd.s32 v1, v3  }
0x1a4: {  	[tilespmem:s3], [sflag:$0x2] =	stream.indirect_vreg.gather [hbm4b:s0+s2], $0x80, v4, vm0, $0xb8;
	[tilespmem:$0x1ED00] =	vst v63  }
0x1a5: {  	s3 =	simm.s32 $0x11500  }
0x1a6: {  	[tilespmem:s3], [sflag:$0x2] =	stream.indirect_vreg.gather [hbm4b:s4+s2], $0x80, v4, vm0, $0xb8;
	[tilespmem:$0x1ED00] =	vst v63  }
0x1a7: {  	s3 =	simm.s32 $0x11D00  }
0x1a8: {  	[tilespmem:s3], [sflag:$0x2] =	stream.indirect_vreg.gather [hbm4b:s0+s2], $0x80, v3, vm0, $0xb8;
	[tilespmem:$0x1ED00] =	vst v63  }
0x1a9: {  	s3 =	simm.s32 $0x12500  }
0x1aa: {  	[tilespmem:s3], [sflag:$0x2] =	stream.indirect_vreg.gather [hbm4b:s4+s2], $0x80, v3, vm0, $0xb8;
	[tilespmem:$0x1ED00] =	vst v63  }
0x1ab: {  	v3 =	vld [tilespmem:s22+$0xC0];
	_ =	sdelay $0x4  }
0x1ac: {  	v63 =	vshll.u32 v3, $0x2  }
0x1ad: {  	v3 =	vand.u32 $0x7, v3;
	v4 =	vand.u32 $0xFFFFFFE0, v63  }
0x1ae: {  	v3 =	vor.u32 v3, v4  }
0x1af: {  	v4 =	vperm.xlane v3, v0;
	_ =	sdelay $0x1  }
0x1b0: {  	v4 =	vadd.s32 v1, v4;
	_ =	sdelay $0x2  }
0x1b1: {  	v3 =	vperm.xlane v3, v2  }
0x1b2: {  	s30 =	sadd.s32 $0x3C00, s30  }
0x1b3: {  	v3 =	vadd.s32 v1, v3;
	[tilespmem:s1], [sflag:$0x2] =	stream.indirect_vreg.gather [hbm4b:s0+s2], $0x80, v4, vm0, $0xb8;
	[tilespmem:$0x1ED00] =	vst v63  }
0x1b4: {  	p1 =	sne.s32 s30, $0x2D000  }
0x1b5: {  	[tilespmem:s10], [sflag:$0x2] =	stream.indirect_vreg.gather [hbm4b:s4+s2], $0x80, v4, vm0, $0xb8;
	[tilespmem:$0x1ED00] =	vst v63  }
.Ltmp2:
0x1b6: {  	_ = 	snop;
	(pc) =	sbr.rel @p1 .LBB2_2-.Ltmp2, $4  }
0x1b7: {  	_ = 	snop  }
0x1b8: {  	[tilespmem:s24], [sflag:$0x2] =	stream.indirect_vreg.gather [hbm4b:s0+s2], $0x80, v3, vm0, $0xb8;
	[tilespmem:$0x1ED00] =	vst v63  }
0x1b9: {  	s22 =	sadd.s32 $0xF0, s22  }
0x1ba: {  	[tilespmem:s9], [sflag:$0x2] =	stream.indirect_vreg.gather [hbm4b:s4+s2], $0x80, v3, vm0, $0xb8;
	[tilespmem:$0x1ED00] =	vst v63  }
0x1bb: {  	_ =	swait.ge [sflag:s25], $0xA000  }
0x1bc: {  	[sflag:s25] =	ssyncset.done $0x0  }
0x1bd: {  	s23 =	simm.s32 $0x6;
	s22 =	rddreg [dreg:$0x6];
	[sflag:s25] =	ssyncadd.s32 $0xFFFF6000  }
0x1be: {  	[hbm4b:s22+s2] =	stream.linear.scatter [tilespmem:s8], [sflag:$0x4], $0xA000, $0x38;
	[tilespmem:$0x1ED00] =	vst v63  }
0x1bf: {  	_ =	swait.ge [sflag:s23], $0xA000  }
0x1c0: {  	[sflag:s23] =	ssyncset.done $0x0  }
0x1c1: {  	[sflag:s23] =	ssyncadd.s32 $0xFFFF6000  }
0x1c2: {  	v3 =	vld [tilespmem:$0xBE0];
	_ =	sdelay $0x4  }
0x1c3: {  	v4 =	vshll.u32 v3, $0x2  }
0x1c4: {  	v3 =	vand.u32 $0x7, v3;
	v4 =	vand.u32 $0xFFFFFFE0, v4  }
0x1c5: {  	v3 =	vor.u32 v3, v4  }
0x1c6: {  	v4 =	vperm.xlane v3, v0;
	_ =	sdelay $0x1  }
0x1c7: {  	v4 =	vadd.s32 v1, v4;
	_ =	sdelay $0x1  }
0x1c8: {  	v3 =	vperm.xlane v3, v2;
	_ =	sdelay $0x1  }
0x1c9: {  	v3 =	vadd.s32 v1, v3  }
0x1ca: {  	[tilespmem:s7], [sflag:$0x3] =	stream.indirect_vreg.gather [hbm4b:s0+s2], $0x80, v4, vm0, $0xb8;
	[tilespmem:$0x1ED00] =	vst v63  }
0x1cb: {  	s22 =	simm.s32 $0x15500  }
0x1cc: {  	[tilespmem:s22], [sflag:$0x3] =	stream.indirect_vreg.gather [hbm4b:s4+s2], $0x80, v4, vm0, $0xb8;
	[tilespmem:$0x1ED00] =	vst v63  }
0x1cd: {  	s19 =	simm.s32 $0x15D00  }
0x1ce: {  	[tilespmem:s19], [sflag:$0x3] =	stream.indirect_vreg.gather [hbm4b:s0+s2], $0x80, v3, vm0, $0xb8;
	[tilespmem:$0x1ED00] =	vst v63  }
0x1cf: {  	s22 =	simm.s32 $0x16500  }
0x1d0: {  	[tilespmem:s22], [sflag:$0x3] =	stream.indirect_vreg.gather [hbm4b:s4+s2], $0x80, v3, vm0, $0xb8;
	[tilespmem:$0x1ED00] =	vst v63  }
0x1d1: {  	v3 =	vld [tilespmem:$0xBF0];
	_ =	sdelay $0x4  }
0x1d2: {  	v60 =	vshll.u32 v3, $0x2  }
0x1d3: {  	v3 =	vand.u32 $0x7, v3;
	v4 =	vand.u32 $0xFFFFFFE0, v60  }
0x1d4: {  	v3 =	vor.u32 v3, v4  }
0x1d5: {  	v4 =	vperm.xlane v3, v0;
	_ =	sdelay $0x1  }
0x1d6: {  	v4 =	vadd.s32 v1, v4;
	_ =	sdelay $0x1  }
0x1d7: {  	v3 =	vperm.xlane v3, v2;
	_ =	sdelay $0x1  }
0x1d8: {  	s19 =	simm.s32 $0x16D00;
	v3 =	vadd.s32 v1, v3  }
0x1d9: {  	[tilespmem:s19], [sflag:$0x3] =	stream.indirect_vreg.gather [hbm4b:s0+s2], $0x80, v4, vm0, $0xb8;
	[tilespmem:$0x1ED00] =	vst v63  }
0x1da: {  	s22 =	simm.s32 $0x17500  }
0x1db: {  	[tilespmem:s22], [sflag:$0x3] =	stream.indirect_vreg.gather [hbm4b:s4+s2], $0x80, v4, vm0, $0xb8;
	[tilespmem:$0x1ED00] =	vst v63  }
0x1dc: {  	s19 =	simm.s32 $0x17D00  }
0x1dd: {  	[tilespmem:s19], [sflag:$0x3] =	stream.indirect_vreg.gather [hbm4b:s0+s2], $0x80, v3, vm0, $0xb8;
	[tilespmem:$0x1ED00] =	vst v63  }
0x1de: {  	s22 =	simm.s32 $0x18500  }
0x1df: {  	[tilespmem:s22], [sflag:$0x3] =	stream.indirect_vreg.gather [hbm4b:s4+s2], $0x80, v3, vm0, $0xb8;
	[tilespmem:$0x1ED00] =	vst v63  }
0x1e0: {  	v3 =	vld [tilespmem:$0xC00];
	_ =	sdelay $0x4  }
0x1e1: {  	v61 =	vshll.u32 v3, $0x2  }
0x1e2: {  	v3 =	vand.u32 $0x7, v3;
	v4 =	vand.u32 $0xFFFFFFE0, v61  }
0x1e3: {  	v3 =	vor.u32 v3, v4  }
0x1e4: {  	v4 =	vperm.xlane v3, v0;
	_ =	sdelay $0x1  }
0x1e5: {  	v4 =	vadd.s32 v1, v4;
	_ =	sdelay $0x1  }
0x1e6: {  	v3 =	vperm.xlane v3, v2;
	_ =	sdelay $0x1  }
0x1e7: {  	s19 =	simm.s32 $0x18D00;
	v3 =	vadd.s32 v1, v3  }
0x1e8: {  	[tilespmem:s19], [sflag:$0x3] =	stream.indirect_vreg.gather [hbm4b:s0+s2], $0x80, v4, vm0, $0xb8;
	[tilespmem:$0x1ED00] =	vst v63  }
0x1e9: {  	s22 =	simm.s32 $0x19500  }
0x1ea: {  	[tilespmem:s22], [sflag:$0x3] =	stream.indirect_vreg.gather [hbm4b:s4+s2], $0x80, v4, vm0, $0xb8;
	[tilespmem:$0x1ED00] =	vst v63  }
0x1eb: {  	s19 =	simm.s32 $0x19D00  }
0x1ec: {  	[tilespmem:s19], [sflag:$0x3] =	stream.indirect_vreg.gather [hbm4b:s0+s2], $0x80, v3, vm0, $0xb8;
	[tilespmem:$0x1ED00] =	vst v63  }
0x1ed: {  	s22 =	simm.s32 $0x1A500  }
0x1ee: {  	[tilespmem:s22], [sflag:$0x3] =	stream.indirect_vreg.gather [hbm4b:s4+s2], $0x80, v3, vm0, $0xb8;
	[tilespmem:$0x1ED00] =	vst v63  }
0x1ef: {  	v3 =	vld [tilespmem:$0xC10];
	_ =	sdelay $0x4  }
0x1f0: {  	v62 =	vshll.u32 v3, $0x2  }
0x1f1: {  	v3 =	vand.u32 $0x7, v3;
	v4 =	vand.u32 $0xFFFFFFE0, v62  }
0x1f2: {  	v3 =	vor.u32 v3, v4  }
0x1f3: {  	v4 =	vperm.xlane v3, v0;
	_ =	sdelay $0x1  }
0x1f4: {  	v4 =	vadd.s32 v1, v4;
	_ =	sdelay $0x1  }
0x1f5: {  	v3 =	vperm.xlane v3, v2;
	_ =	sdelay $0x1  }
0x1f6: {  	s19 =	simm.s32 $0x1AD00;
	v3 =	vadd.s32 v1, v3  }
0x1f7: {  	[tilespmem:s19], [sflag:$0x3] =	stream.indirect_vreg.gather [hbm4b:s0+s2], $0x80, v4, vm0, $0xb8;
	[tilespmem:$0x1ED00] =	vst v63  }
0x1f8: {  	s22 =	simm.s32 $0x1B500  }
0x1f9: {  	[tilespmem:s22], [sflag:$0x3] =	stream.indirect_vreg.gather [hbm4b:s4+s2], $0x80, v4, vm0, $0xb8;
	[tilespmem:$0x1ED00] =	vst v63  }
0x1fa: {  	s19 =	simm.s32 $0x1BD00  }
0x1fb: {  	[tilespmem:s19], [sflag:$0x3] =	stream.indirect_vreg.gather [hbm4b:s0+s2], $0x80, v3, vm0, $0xb8;
	[tilespmem:$0x1ED00] =	vst v63  }
0x1fc: {  	s22 =	simm.s32 $0x1C500  }
0x1fd: {  	[tilespmem:s22], [sflag:$0x3] =	stream.indirect_vreg.gather [hbm4b:s4+s2], $0x80, v3, vm0, $0xb8;
	[tilespmem:$0x1ED00] =	vst v63  }
0x1fe: {  	v3 =	vld [tilespmem:$0xC20];
	_ =	sdelay $0x4  }
0x1ff: {  	v63 =	vshll.u32 v3, $0x2  }
0x200: {  	v3 =	vand.u32 $0x7, v3;
	v4 =	vand.u32 $0xFFFFFFE0, v63  }
0x201: {  	v3 =	vor.u32 v3, v4  }
0x202: {  	v4 =	vperm.xlane v3, v0;
	_ =	sdelay $0x1  }
0x203: {  	v4 =	vadd.s32 v1, v4;
	_ =	sdelay $0x1  }
0x204: {  	v3 =	vperm.xlane v3, v2;
	_ =	sdelay $0x1  }
0x205: {  	s19 =	simm.s32 $0x1CD00;
	v3 =	vadd.s32 v1, v3  }
0x206: {  	[tilespmem:s19], [sflag:$0x3] =	stream.indirect_vreg.gather [hbm4b:s0+s2], $0x80, v4, vm0, $0xb8;
	[tilespmem:$0x1ED00] =	vst v63  }
0x207: {  	s22 =	simm.s32 $0x1D500  }
0x208: {  	[tilespmem:s22], [sflag:$0x3] =	stream.indirect_vreg.gather [hbm4b:s4+s2], $0x80, v4, vm0, $0xb8;
	[tilespmem:$0x1ED00] =	vst v63  }
0x209: {  	s18 =	simm.s32 $0x12D00;
	s19 =	simm.s32 $0x1DD00  }
0x20a: {  	[tilespmem:s19], [sflag:$0x3] =	stream.indirect_vreg.gather [hbm4b:s0+s2], $0x80, v3, vm0, $0xb8;
	[tilespmem:$0x1ED00] =	vst v63  }
0x20b: {  	s17 =	simm.s32 $0x12500;
	s16 =	simm.s32 $0x11D00;
	s22 =	simm.s32 $0x1E500  }
0x20c: {  	[tilespmem:s22], [sflag:$0x3] =	stream.indirect_vreg.gather [hbm4b:s4+s2], $0x80, v3, vm0, $0xb8;
	[tilespmem:$0x1ED00] =	vst v63  }
0x20d: {  	s15 =	simm.s32 $0x11500;
	s14 =	simm.s32 $0x10D00;
	_ =	swait.ge [sflag:s20], $0xA000  }
0x20e: {  	s13 =	simm.s32 $0x10500;
	s12 =	simm.s32 $0xFD00;
	[sflag:s20] =	ssyncset.done $0x0  }
0x20f: {  	s11 =	simm.s32 $0xF500;
	s19 =	rddreg [dreg:$0x7];
	[sflag:s20] =	ssyncadd.s32 $0xFFFF6000  }
0x210: {  	[hbm4b:s19+s2] =	stream.linear.scatter [tilespmem:s26], [sflag:$0x5], $0xA000, $0x38;
	[tilespmem:$0x1ED00] =	vst v63  }
0x211: {  	s10 =	simm.s32 $0xED00;
	s9 =	simm.s32 $0xE500;
	_ =	swait.ge [sflag:s21], $0xA000  }
0x212: {  	s24 =	simm.s32 $0xDD00;
	s6 =	simm.s32 $0xD500;
	[sflag:s21] =	ssyncset.done $0x0  }
.Ltmp3:
0x213: {  	s26 =	rddreg [dreg:$0x8];
	[sflag:s21] =	ssyncadd.s32 $0xFFFF6000;
	(pc) =	sbr.rel @p0 .LBB2_5-.Ltmp3, $4  }
0x214: {  	[hbm4b:s26+s2] =	stream.linear.scatter [tilespmem:s7], [sflag:$0x6], $0xA000, $0x38;
	[tilespmem:$0x1ED00] =	vst v63  }
0x215: {  	s5 =	simm.s32 $0xCD00;
	s3 =	simm.s32 $0xC500;
	_ =	swait.ge [sflag:s29], $0xA000  }
0x216: {  	s1 =	simm.s32 $0xBD00;
	s8 =	simm.s32 $0xB500;
	[sflag:s29] =	ssyncset.done $0x0  }
0x217: {  	s19 =	simm.s32 $0xAD00;
	s30 =	rddreg [dreg:$0xc];
	[sflag:s29] =	ssyncadd.s32 $0xFFFF6000  }
0x218: {  	s22 =	rddreg [dreg:$0x9];
	s7 =	simm.s32 $0xC80;
	s23 =	simm.s32 $0x7  }
0x219: {  	[tilespmem:s7], [sflag:$0x7] =	stream.linear.gather [hbm4b:s22+s2], $0x50, $0x38;
	[tilespmem:$0x1ED00] =	vst v63  }
0x21a: {  	_ =	swait.ge [sflag:s23], $0x50  }
0x21b: {  	[sflag:s23] =	ssyncset.done $0x0  }
0x21c: {  	[sflag:s23] =	ssyncadd.s32 $0xFFFFFFB0  }
0x21d: {  	v3 =	vld [tilespmem:$0xC80];
	_ =	sdelay $0x4  }
0x21e: {  	v4 =	vshll.u32 v3, $0x2  }
0x21f: {  	v3 =	vand.u32 $0x7, v3;
	v4 =	vand.u32 $0xFFFFFFE0, v4  }
0x220: {  	v3 =	vor.u32 v3, v4  }
0x221: {  	v4 =	vperm.xlane v3, v0;
	_ =	sdelay $0x1  }
0x222: {  	v4 =	vadd.s32 v1, v4;
	_ =	sdelay $0x1  }
0x223: {  	v3 =	vperm.xlane v3, v2;
	_ =	sdelay $0x1  }
0x224: {  	v3 =	vadd.s32 v1, v3  }
0x225: {  	[tilespmem:s19], [sflag:$0x2] =	stream.indirect_vreg.gather [hbm4b:s0+s2], $0x80, v4, vm0, $0xb8;
	[tilespmem:$0x1ED00] =	vst v63  }
0x226: {  	_ = 	snop  }
0x227: {  	[tilespmem:s8], [sflag:$0x2] =	stream.indirect_vreg.gather [hbm4b:s4+s2], $0x80, v4, vm0, $0xb8;
	[tilespmem:$0x1ED00] =	vst v63  }
0x228: {  	_ = 	snop  }
0x229: {  	[tilespmem:s1], [sflag:$0x2] =	stream.indirect_vreg.gather [hbm4b:s0+s2], $0x80, v3, vm0, $0xb8;
	[tilespmem:$0x1ED00] =	vst v63  }
0x22a: {  	_ = 	snop  }
0x22b: {  	[tilespmem:s3], [sflag:$0x2] =	stream.indirect_vreg.gather [hbm4b:s4+s2], $0x80, v3, vm0, $0xb8;
	[tilespmem:$0x1ED00] =	vst v63  }
0x22c: {  	v3 =	vld [tilespmem:$0xC90];
	_ =	sdelay $0x4  }
0x22d: {  	v60 =	vshll.u32 v3, $0x2  }
0x22e: {  	v3 =	vand.u32 $0x7, v3;
	v4 =	vand.u32 $0xFFFFFFE0, v60  }
0x22f: {  	v3 =	vor.u32 v3, v4  }
0x230: {  	v4 =	vperm.xlane v3, v0;
	_ =	sdelay $0x1  }
0x231: {  	v4 =	vadd.s32 v1, v4;
	_ =	sdelay $0x1  }
0x232: {  	v3 =	vperm.xlane v3, v2;
	_ =	sdelay $0x1  }
0x233: {  	v3 =	vadd.s32 v1, v3  }
0x234: {  	[tilespmem:s5], [sflag:$0x2] =	stream.indirect_vreg.gather [hbm4b:s0+s2], $0x80, v4, vm0, $0xb8;
	[tilespmem:$0x1ED00] =	vst v63  }
0x235: {  	_ = 	snop  }
0x236: {  	[tilespmem:s6], [sflag:$0x2] =	stream.indirect_vreg.gather [hbm4b:s4+s2], $0x80, v4, vm0, $0xb8;
	[tilespmem:$0x1ED00] =	vst v63  }
0x237: {  	_ = 	snop  }
0x238: {  	[tilespmem:s24], [sflag:$0x2] =	stream.indirect_vreg.gather [hbm4b:s0+s2], $0x80, v3, vm0, $0xb8;
	[tilespmem:$0x1ED00] =	vst v63  }
0x239: {  	_ = 	snop  }
0x23a: {  	[tilespmem:s9], [sflag:$0x2] =	stream.indirect_vreg.gather [hbm4b:s4+s2], $0x80, v3, vm0, $0xb8;
	[tilespmem:$0x1ED00] =	vst v63  }
0x23b: {  	v3 =	vld [tilespmem:$0xCA0];
	_ =	sdelay $0x4  }
0x23c: {  	v61 =	vshll.u32 v3, $0x2  }
0x23d: {  	v3 =	vand.u32 $0x7, v3;
	v4 =	vand.u32 $0xFFFFFFE0, v61  }
0x23e: {  	v3 =	vor.u32 v3, v4  }
0x23f: {  	v4 =	vperm.xlane v3, v0;
	_ =	sdelay $0x1  }
0x240: {  	v4 =	vadd.s32 v1, v4;
	_ =	sdelay $0x1  }
0x241: {  	v3 =	vperm.xlane v3, v2;
	_ =	sdelay $0x1  }
0x242: {  	v3 =	vadd.s32 v1, v3  }
0x243: {  	[tilespmem:s10], [sflag:$0x2] =	stream.indirect_vreg.gather [hbm4b:s0+s2], $0x80, v4, vm0, $0xb8;
	[tilespmem:$0x1ED00] =	vst v63  }
0x244: {  	_ = 	snop  }
0x245: {  	[tilespmem:s11], [sflag:$0x2] =	stream.indirect_vreg.gather [hbm4b:s4+s2], $0x80, v4, vm0, $0xb8;
	[tilespmem:$0x1ED00] =	vst v63  }
0x246: {  	_ = 	snop  }
0x247: {  	[tilespmem:s12], [sflag:$0x2] =	stream.indirect_vreg.gather [hbm4b:s0+s2], $0x80, v3, vm0, $0xb8;
	[tilespmem:$0x1ED00] =	vst v63  }
0x248: {  	_ = 	snop  }
0x249: {  	[tilespmem:s13], [sflag:$0x2] =	stream.indirect_vreg.gather [hbm4b:s4+s2], $0x80, v3, vm0, $0xb8;
	[tilespmem:$0x1ED00] =	vst v63  }
0x24a: {  	v3 =	vld [tilespmem:$0xCB0];
	_ =	sdelay $0x4  }
0x24b: {  	v62 =	vshll.u32 v3, $0x2  }
0x24c: {  	v3 =	vand.u32 $0x7, v3;
	v4 =	vand.u32 $0xFFFFFFE0, v62  }
0x24d: {  	v3 =	vor.u32 v3, v4  }
0x24e: {  	v4 =	vperm.xlane v3, v0;
	_ =	sdelay $0x1  }
0x24f: {  	v4 =	vadd.s32 v1, v4;
	_ =	sdelay $0x1  }
0x250: {  	v3 =	vperm.xlane v3, v2;
	_ =	sdelay $0x1  }
0x251: {  	v3 =	vadd.s32 v1, v3  }
0x252: {  	[tilespmem:s14], [sflag:$0x2] =	stream.indirect_vreg.gather [hbm4b:s0+s2], $0x80, v4, vm0, $0xb8;
	[tilespmem:$0x1ED00] =	vst v63  }
0x253: {  	_ = 	snop  }
0x254: {  	[tilespmem:s15], [sflag:$0x2] =	stream.indirect_vreg.gather [hbm4b:s4+s2], $0x80, v4, vm0, $0xb8;
	[tilespmem:$0x1ED00] =	vst v63  }
0x255: {  	_ = 	snop  }
0x256: {  	[tilespmem:s16], [sflag:$0x2] =	stream.indirect_vreg.gather [hbm4b:s0+s2], $0x80, v3, vm0, $0xb8;
	[tilespmem:$0x1ED00] =	vst v63  }
0x257: {  	_ = 	snop  }
0x258: {  	[tilespmem:s17], [sflag:$0x2] =	stream.indirect_vreg.gather [hbm4b:s4+s2], $0x80, v3, vm0, $0xb8;
	[tilespmem:$0x1ED00] =	vst v63  }
0x259: {  	v3 =	vld [tilespmem:$0xCC0];
	_ =	sdelay $0x4  }
0x25a: {  	v63 =	vshll.u32 v3, $0x2  }
0x25b: {  	v3 =	vand.u32 $0x7, v3;
	v4 =	vand.u32 $0xFFFFFFE0, v63  }
0x25c: {  	v3 =	vor.u32 v3, v4  }
0x25d: {  	v4 =	vperm.xlane v3, v0;
	_ =	sdelay $0x1  }
0x25e: {  	v4 =	vadd.s32 v1, v4;
	_ =	sdelay $0x1  }
0x25f: {  	v3 =	vperm.xlane v3, v2;
	_ =	sdelay $0x1  }
0x260: {  	v3 =	vadd.s32 v1, v3  }
0x261: {  	[tilespmem:s18], [sflag:$0x2] =	stream.indirect_vreg.gather [hbm4b:s0+s2], $0x80, v4, vm0, $0xb8;
	[tilespmem:$0x1ED00] =	vst v63  }
0x262: {  	s18 =	simm.s32 $0x13500  }
0x263: {  	[tilespmem:s18], [sflag:$0x2] =	stream.indirect_vreg.gather [hbm4b:s4+s2], $0x80, v4, vm0, $0xb8;
	[tilespmem:$0x1ED00] =	vst v63  }
0x264: {  	s22 =	simm.s32 $0x13D00  }
0x265: {  	[tilespmem:s22], [sflag:$0x2] =	stream.indirect_vreg.gather [hbm4b:s0+s2], $0x80, v3, vm0, $0xb8;
	[tilespmem:$0x1ED00] =	vst v63  }
0x266: {  	s24 =	simm.s32 $0x14500  }
0x267: {  	[tilespmem:s24], [sflag:$0x2] =	stream.indirect_vreg.gather [hbm4b:s4+s2], $0x80, v3, vm0, $0xb8;
	[tilespmem:$0x1ED00] =	vst v63  }
0x268: {  	_ =	swait.ge [sflag:s20], $0xA000  }
0x269: {  	[sflag:s20] =	ssyncset.done $0x0  }
.Ltmp4:
0x26a: {  	s26 =	rddreg [dreg:$0xa];
	[sflag:s20] =	ssyncadd.s32 $0xFFFF6000;
	(pc) =	sbr.rel .LBB2_5-.Ltmp4, $4  }
0x26b: {  	[hbm4b:s26+s2] =	stream.linear.scatter [tilespmem:s19], [sflag:$0x7], $0xA000, $0x38;
	[tilespmem:$0x1ED00] =	vst v63  }
0x26c: {  	_ =	swait.ge [sflag:s23], $0xA000  }
0x26d: {  	[sflag:s23] =	ssyncset.done $0x0  }
0x26e: {  	[sflag:s23] =	ssyncadd.s32 $0xFFFF6000;
	s23 =	simm.s32 $0x6  }
.LBB2_6:
0x26f: {  	_ =	sfence.sel $0x180000  }
0x270: {  	[bflag:$0x0] =	sbarrier.arrive $0xFFFF  }
0x271: {  	_ =	strace $0x90000047  }
0x272: {  	[bflag:$0x2] =	sbarrier.arrive $0xFFFF  }
0x273: {  	s0 =	rddreg [dreg:$0x3]  }
0x274: {  	s0 =	sadd.s32 @!p0 $0x100000, s0  }
0x275: {  	[sflag:s0] =	ssyncadd.tile.s32 @!p0 $0x1;
	_ =	shalt  }
.Lfunc_end2:
_tile_overlayer_lowered:
.L_overlay_start_2:
0x276: {  	(tag) =	ssettag $0x2  }
0x277: {  	s0 =	rddreg [dreg:$0x0];
	s2 =	stileid.u32  }
0x278: {  	s1 =	rddreg [dreg:$0x1];
	p0 =	sne.s32 s2, $0x0  }
0x279: {  	s3 =	rddreg [dreg:$0x2];
	[bflag:$0x3] =	sbarrier.arrive $0xFFFF;
	s2 =	simm.s32 @!p0 $0x1C07  }
0x27a: {  	[timem:s3], [sflag:s2] =	dma.local @!p0 [hbm:s0], s1  }
0x27b: {  	s0 =	simm.s32 @!p0 $0x7  }
0x27c: {  	_ =	swait.ge @!p0 [sflag:s0], s1  }
0x27d: {  	s1 =	ssub.s32 @!p0 $0x0, s1;
	[sflag:s0] =	ssyncset.done @!p0 $0x0  }
0x27e: {  	[sflag:s0] =	ssyncadd.s32 @!p0 s1  }
0x27f: {  	[bflag:$0x3] =	sbarrier.arrive $0xFFFF  }
0x280: {  	_ =	shalt  }

</sc_bundles>
